<compile_context>
chip_gen: v7x
topology: tpu7x:2x2x1
jax: 0.10.2.dev20260603
libtpu: 0.0.44.dev20260713+nightly
codegen_flags: <defaults>
</compile_context>

<pallas_src>
import jax
import jax.numpy as jnp
import numpy as np
from jax.experimental import pallas as pl
from jax.experimental.pallas import tpu as pltpu

STRIDE = 8
SIZES = (32.0, 64.0, 128.0, 256.0, 512.0)
PRE_NMS = 2000
POST_NMS = 1000
NMS_THRESH = 0.7
BBOX_CLIP = float(np.log(1000.0 / 16.0))

HF = 160
WF = 160
CC = 64
AA = 5
ROWS = 8
PADK = 2048
SUBL = 16
LANE = 128


def _conv(x, w, b):
    y = jax.lax.conv_general_dilated(x, w, (1, 1), 'SAME',
                                     dimension_numbers=('NCHW', 'OIHW', 'NCHW'))
    return y + b[None, :, None, None]


def _decode_kernel(dx_ref, dy_ref, dw_ref, dh_ref, ws_ref, cx_ref, cy_ref,
                   wh_ref, x1_ref, y1_ref, x2_ref, y2_ref, ar_ref):
    w = ws_ref[...]
    cx = cx_ref[...]
    cy = cy_ref[...]
    dwc = jnp.minimum(dw_ref[...], BBOX_CLIP)
    dhc = jnp.minimum(dh_ref[...], BBOX_CLIP)
    pcx = dx_ref[...] * w + cx
    pcy = dy_ref[...] * w + cy
    pw = jnp.exp(dwc) * w
    ph = jnp.exp(dhc) * w
    wimg = wh_ref[0, 0]
    himg = wh_ref[0, 1]
    x1 = jnp.clip(pcx - 0.5 * pw, 0.0, wimg - 1.0)
    y1 = jnp.clip(pcy - 0.5 * ph, 0.0, himg - 1.0)
    x2 = jnp.clip(pcx + 0.5 * pw, 0.0, wimg - 1.0)
    y2 = jnp.clip(pcy + 0.5 * ph, 0.0, himg - 1.0)
    x1_ref[...] = x1
    y1_ref[...] = y1
    x2_ref[...] = x2
    y2_ref[...] = y2
    ar_ref[...] = jnp.maximum(x2 - x1, 0.0) * jnp.maximum(y2 - y1, 0.0)


def _nms_kernel(sc_ref, x1v_ref, y1v_ref, x2v_ref, y2v_ref, arv_ref,
                x1s_ref, y1s_ref, x2s_ref, y2s_ref, ars_ref, fs_ref):
    x1 = x1v_ref[...]
    y1 = y1v_ref[...]
    x2 = x2v_ref[...]
    y2 = y2v_ref[...]
    area = arv_ref[...]

    lin = (jax.lax.broadcasted_iota(jnp.int32, (SUBL, LANE), 0) * LANE
           + jax.lax.broadcasted_iota(jnp.int32, (SUBL, LANE), 1))

    def body(i, supp):
        bx1 = x1s_ref[i]
        by1 = y1s_ref[i]
        bx2 = x2s_ref[i]
        by2 = y2s_ref[i]
        bar = ars_ref[i]
        iw = jnp.maximum(jnp.minimum(x2, bx2) - jnp.maximum(x1, bx1), 0.0)
        ih = jnp.maximum(jnp.minimum(y2, by2) - jnp.maximum(y1, by1), 0.0)
        inter = iw * ih
        union = area + bar - inter
        iou = inter / jnp.maximum(union, 1e-9)
        mask = (iou > NMS_THRESH) & (lin > i)
        oh = lin == i
        s_i = jnp.max(jnp.where(oh, supp, 0.0))
        af = jnp.where(s_i > 0.5, 0.0, 1.0)
        return jnp.maximum(supp, jnp.where(mask, af, 0.0))

    supp = jax.lax.fori_loop(0, PRE_NMS, body,
                             jnp.zeros((SUBL, LANE), jnp.float32),
                             unroll=16)
    fs_ref[...] = jnp.where(supp > 0.5, -1e9, sc_ref[...])


def kernel(features, W_conv, b_conv, W_obj, b_obj, W_reg, b_reg,
           image_height, image_width):
    f32 = jnp.float32
    t = jax.nn.relu(_conv(features, W_conv, b_conv))
    objectness = _conv(t, W_obj, b_obj)
    box_reg = _conv(t, W_reg, b_reg)
    obj = jnp.transpose(objectness, (0, 2, 3, 1)).reshape(-1)
    obj = jax.nn.sigmoid(obj)
    reg = box_reg.reshape(1, AA, 4, HF, WF)
    reg = jnp.transpose(reg, (0, 3, 4, 1, 2)).reshape(-1, 4)

    vals, idx = jax.lax.top_k(obj, PRE_NMS)
    deltas = reg[idx]

    a = idx % AA
    p = idx // AA
    gx = (p % WF).astype(f32)
    gy = (p // WF).astype(f32)
    sizes = jnp.asarray(SIZES, f32)
    ws = sizes[a]
    cx = gx * STRIDE
    cy = gy * STRIDE

    pad = PADK - PRE_NMS
    def padv(v, fill):
        return jnp.pad(v, (0, pad), constant_values=fill).reshape(SUBL, LANE)

    sc2 = padv(vals, -1.0)
    dx2 = padv(deltas[:, 0], 0.0)
    dy2 = padv(deltas[:, 1], 0.0)
    dw2 = padv(deltas[:, 2], 0.0)
    dh2 = padv(deltas[:, 3], 0.0)
    ws2 = padv(ws, 32.0)
    cx2 = padv(cx, 0.0)
    cy2 = padv(cy, 0.0)
    wh = jnp.stack([jnp.asarray(image_width, f32),
                    jnp.asarray(image_height, f32)]).reshape(1, 2)

    x1, y1, x2, y2, ar = pl.pallas_call(
        _decode_kernel,
        out_shape=[jax.ShapeDtypeStruct((SUBL, LANE), f32)] * 5,
    )(dx2, dy2, dw2, dh2, ws2, cx2, cy2, wh)

    smem = pl.BlockSpec(memory_space=pltpu.SMEM)
    fs = pl.pallas_call(
        _nms_kernel,
        in_specs=[pl.BlockSpec((SUBL, LANE), lambda: (0, 0))] * 6 + [smem] * 5,
        out_specs=pl.BlockSpec((SUBL, LANE), lambda: (0, 0)),
        out_shape=jax.ShapeDtypeStruct((SUBL, LANE), f32),
    )(sc2, x1, y1, x2, y2, ar,
      x1.reshape(-1), y1.reshape(-1), x2.reshape(-1), y2.reshape(-1),
      ar.reshape(-1))

    fs = fs.reshape(-1)[:PRE_NMS]
    boxes = jnp.stack([x1.reshape(-1), y1.reshape(-1),
                       x2.reshape(-1), y2.reshape(-1)], axis=1)[:PRE_NMS]
    top_scores, top_idx = jax.lax.top_k(fs, POST_NMS)
    final_boxes = boxes[top_idx]
    return final_boxes, top_scores

# --- scband reference (transcript-rebuilt; emitter-appended) ---
"""Pipeline reference for scband-rpnmodule-1683627180306 (READ-ONLY COPY).

The authoritative reference and input builder live on the scoring server;
editing this copy changes nothing except your own understanding.
"""

import jax, jax.numpy as jnp
import numpy as np

STRIDE = 8
SIZES = (32.0, 64.0, 128.0, 256.0, 512.0)
PRE_NMS = 2000
POST_NMS = 1000
NMS_THRESH = 0.7
MIN_SIZE = 0.0
BBOX_CLIP = float(np.log(1000.0 / 16.0))


def _grid_anchors(hf, wf):
    sizes = jnp.asarray(SIZES, dtype=jnp.float32)
    base = jnp.stack([-sizes / 2, -sizes / 2, sizes / 2, sizes / 2], axis=1)  # [A,4]
    sx = jnp.arange(wf, dtype=jnp.float32) * STRIDE
    sy = jnp.arange(hf, dtype=jnp.float32) * STRIDE
    yy, xx = jnp.meshgrid(sy, sx, indexing='ij')
    shifts = jnp.stack([xx.ravel(), yy.ravel(), xx.ravel(), yy.ravel()], axis=1)  # [H*W,4]
    anchors = (shifts[:, None, :] + base[None, :, :]).reshape(-1, 4)  # [(H*W)*A,4], (h,w,a) order
    return anchors


def _conv(x, w, b):
    y = jax.lax.conv_general_dilated(x, w, (1, 1), 'SAME', dimension_numbers=('NCHW', 'OIHW', 'NCHW'))
    return y + b[None, :, None, None]


def _pairwise_iou(boxes):
    x1, y1, x2, y2 = boxes[:, 0], boxes[:, 1], boxes[:, 2], boxes[:, 3]
    area = jnp.maximum(x2 - x1, 0.0) * jnp.maximum(y2 - y1, 0.0)
    ix1 = jnp.maximum(x1[:, None], x1[None, :])
    iy1 = jnp.maximum(y1[:, None], y1[None, :])
    ix2 = jnp.minimum(x2[:, None], x2[None, :])
    iy2 = jnp.minimum(y2[:, None], y2[None, :])
    iw = jnp.maximum(ix2 - ix1, 0.0)
    ih = jnp.maximum(iy2 - iy1, 0.0)
    inter = iw * ih
    union = area[:, None] + area[None, :] - inter
    return inter / jnp.maximum(union, 1e-9)


def setup_inputs(seed: int = 0):
    key = jax.random.key(seed)
    ks = jax.random.split(key, 6)
    C, A, Hf, Wf = 64, 5, 160, 160
    features = jax.random.normal(ks[0], (1, C, Hf, Wf), dtype=jnp.float32)
    W_conv = jax.random.normal(ks[1], (C, C, 3, 3), dtype=jnp.float32) * 0.03
    b_conv = jnp.zeros((C,), jnp.float32)
    W_obj = jax.random.normal(ks[2], (A, C, 1, 1), dtype=jnp.float32) * 0.03
    b_obj = jnp.zeros((A,), jnp.float32)
    W_reg = jax.random.normal(ks[3], (4 * A, C, 1, 1), dtype=jnp.float32) * 0.03
    b_reg = jnp.zeros((4 * A,), jnp.float32)
    return {
        'features': features,
        'W_conv': W_conv, 'b_conv': b_conv,
        'W_obj': W_obj, 'b_obj': b_obj,
        'W_reg': W_reg, 'b_reg': b_reg,
        'image_height': 1280,
        'image_width': 1280,
    }


def reference(features, W_conv, b_conv, W_obj, b_obj, W_reg, b_reg, image_height, image_width):
    # RPN head
    t = jax.nn.relu(_conv(features, W_conv, b_conv))
    objectness = _conv(t, W_obj, b_obj)            # [1,A,H,W]
    box_reg = _conv(t, W_reg, b_reg)               # [1,4A,H,W]
    B, A, Hf, Wf = objectness.shape
    anchors = _grid_anchors(Hf, Wf)                # [N,4]
    # permute_and_flatten: [B,A,H,W] -> [B,H,W,A] -> [N]
    obj = jnp.transpose(objectness, (0, 2, 3, 1)).reshape(-1)
    obj = jax.nn.sigmoid(obj)
    reg = box_reg.reshape(B, A, 4, Hf, Wf)
    reg = jnp.transpose(reg, (0, 3, 4, 1, 2)).reshape(-1, 4)
    # pre-NMS top-k over all anchors
    scores, idx = jax.lax.top_k(obj, PRE_NMS)
    deltas = reg[idx]
    anch = anchors[idx]
    # decode deltas (maskrcnn-benchmark BoxCoder, weights 1)
    widths = anch[:, 2] - anch[:, 0]
    heights = anch[:, 3] - anch[:, 1]
    ctr_x = anch[:, 0] + 0.5 * widths
    ctr_y = anch[:, 1] + 0.5 * heights
    dx, dy, dw, dh = deltas[:, 0], deltas[:, 1], deltas[:, 2], deltas[:, 3]
    dw = jnp.minimum(dw, BBOX_CLIP)
    dh = jnp.minimum(dh, BBOX_CLIP)
    pred_ctr_x = dx * widths + ctr_x
    pred_ctr_y = dy * heights + ctr_y
    pred_w = jnp.exp(dw) * widths
    pred_h = jnp.exp(dh) * heights
    x1 = pred_ctr_x - 0.5 * pred_w
    y1 = pred_ctr_y - 0.5 * pred_h
    x2 = pred_ctr_x + 0.5 * pred_w
    y2 = pred_ctr_y + 0.5 * pred_h
    # clip to image
    W_img = jnp.float32(image_width)
    H_img = jnp.float32(image_height)
    x1 = jnp.clip(x1, 0.0, W_img - 1.0)
    y1 = jnp.clip(y1, 0.0, H_img - 1.0)
    x2 = jnp.clip(x2, 0.0, W_img - 1.0)
    y2 = jnp.clip(y2, 0.0, H_img - 1.0)
    boxes = jnp.stack([x1, y1, x2, y2], axis=1)    # [K,4]
    # remove small boxes (mask via score)
    keep = ((x2 - x1) >= MIN_SIZE) & ((y2 - y1) >= MIN_SIZE)
    scores = jnp.where(keep, scores, -1.0)
    # greedy NMS
    order = jnp.argsort(-scores)
    boxes_s = boxes[order]
    scores_s = scores[order]
    iou = _pairwise_iou(boxes_s)
    K = boxes_s.shape[0]
    rng = jnp.arange(K)

    def body(i, supp):
        alive = jnp.logical_not(supp[i])
        over = iou[i] > NMS_THRESH
        return supp | (alive & over & (rng > i))

    supp = jax.lax.fori_loop(0, K, body, jnp.zeros((K,), dtype=bool))
    final_scores_all = jnp.where(supp, -1e9, scores_s)
    top_scores, top_idx = jax.lax.top_k(final_scores_all, POST_NMS)
    final_boxes = boxes_s[top_idx]
    return final_boxes, top_scores

if __name__ == "__main__":
    import jax
    _d = setup_inputs()
    print(jax.jit(kernel)(*tuple(_d.values())))

</pallas_src>

<mosaic_0001>
module attributes {stable_mosaic.version = 14 : i64} {
  func.func @_decode_kernel(%arg0: memref<16x128xf32, #tpu.memory_space<vmem>>, %arg1: memref<16x128xf32, #tpu.memory_space<vmem>>, %arg2: memref<16x128xf32, #tpu.memory_space<vmem>>, %arg3: memref<16x128xf32, #tpu.memory_space<vmem>>, %arg4: memref<16x128xf32, #tpu.memory_space<vmem>>, %arg5: memref<16x128xf32, #tpu.memory_space<vmem>>, %arg6: memref<16x128xf32, #tpu.memory_space<vmem>>, %arg7: memref<1x2xf32, #tpu.memory_space<vmem>>, %arg8: memref<16x128xf32, #tpu.memory_space<vmem>>, %arg9: memref<16x128xf32, #tpu.memory_space<vmem>>, %arg10: memref<16x128xf32, #tpu.memory_space<vmem>>, %arg11: memref<16x128xf32, #tpu.memory_space<vmem>>, %arg12: memref<16x128xf32, #tpu.memory_space<vmem>>) attributes {dimension_semantics = [], scalar_prefetch = 0 : i64, scratch_operands = 0 : i64, tpu.core_type = #tpu.core_type<tc>} {
    %get3A = arith.constant 0 : index
    %get3A_0 = arith.constant 0 : index
    %get3A_1 = vector.load %arg4[%get3A, %get3A_0] : memref<16x128xf32, #tpu.memory_space<vmem>>, vector<16x128xf32>
    %get3A_2 = arith.constant 0 : index
    %get3A_3 = arith.constant 0 : index
    %get3A_4 = vector.load %arg5[%get3A_2, %get3A_3] : memref<16x128xf32, #tpu.memory_space<vmem>>, vector<16x128xf32>
    %get3A_5 = arith.constant 0 : index
    %get3A_6 = arith.constant 0 : index
    %get3A_7 = vector.load %arg6[%get3A_5, %get3A_6] : memref<16x128xf32, #tpu.memory_space<vmem>>, vector<16x128xf32>
    %get3A_8 = arith.constant 0 : index
    %get3A_9 = arith.constant 0 : index
    %get3A_10 = vector.load %arg2[%get3A_8, %get3A_9] : memref<16x128xf32, #tpu.memory_space<vmem>>, vector<16x128xf32>
    %min3A = arith.constant 4.13516665 : f32
    %min3A_11 = vector.broadcast %min3A : f32 to vector<16x128xf32>
    %min3A_12 = arith.minimumf %get3A_10, %min3A_11 : vector<16x128xf32>
    %get3A_13 = arith.constant 0 : index
    %get3A_14 = arith.constant 0 : index
    %get3A_15 = vector.load %arg3[%get3A_13, %get3A_14] : memref<16x128xf32, #tpu.memory_space<vmem>>, vector<16x128xf32>
    %min3A_16 = arith.constant 4.13516665 : f32
    %min3A_17 = vector.broadcast %min3A_16 : f32 to vector<16x128xf32>
    %min3A_18 = arith.minimumf %get3A_15, %min3A_17 : vector<16x128xf32>
    %get3A_19 = arith.constant 0 : index
    %get3A_20 = arith.constant 0 : index
    %get3A_21 = vector.load %arg0[%get3A_19, %get3A_20] : memref<16x128xf32, #tpu.memory_space<vmem>>, vector<16x128xf32>
    %mul3A = arith.mulf %get3A_21, %get3A_1 : vector<16x128xf32>
    %add3A = arith.addf %mul3A, %get3A_4 : vector<16x128xf32>
    %get3A_22 = arith.constant 0 : index
    %get3A_23 = arith.constant 0 : index
    %get3A_24 = vector.load %arg1[%get3A_22, %get3A_23] : memref<16x128xf32, #tpu.memory_space<vmem>>, vector<16x128xf32>
    %mul3A_25 = arith.mulf %get3A_24, %get3A_1 : vector<16x128xf32>
    %add3A_26 = arith.addf %mul3A_25, %get3A_7 : vector<16x128xf32>
    %exp3A = math.exp %min3A_12 : vector<16x128xf32>
    %mul3A_27 = arith.mulf %exp3A, %get3A_1 : vector<16x128xf32>
    %exp3A_28 = math.exp %min3A_18 : vector<16x128xf32>
    %mul3A_29 = arith.mulf %exp3A_28, %get3A_1 : vector<16x128xf32>
    %get3A_30 = arith.constant 0 : index
    %get3A_31 = arith.constant 0 : index
    %get3A_32 = vector.load %arg7[%get3A_30, %get3A_31] : memref<1x2xf32, #tpu.memory_space<vmem>>, vector<1x1xf32>
    %get3A_33 = vector.extract %get3A_32[0, 0] : f32 from vector<1x1xf32>
    %get3A_34 = arith.constant 0 : index
    %get3A_35 = arith.constant 1 : index
    %get3A_36 = vector.load %arg7[%get3A_34, %get3A_35] : memref<1x2xf32, #tpu.memory_space<vmem>>, vector<1x1xf32>
    %get3A_37 = vector.extract %get3A_36[0, 0] : f32 from vector<1x1xf32>
    %mul3A_38 = arith.constant 5.000000e-01 : f32
    %mul3A_39 = vector.broadcast %mul3A_38 : f32 to vector<16x128xf32>
    %mul3A_40 = arith.mulf %mul3A_39, %mul3A_27 : vector<16x128xf32>
    %sub3A = arith.subf %add3A, %mul3A_40 : vector<16x128xf32>
    %sub3A_41 = arith.constant 1.000000e+00 : f32
    %sub3A_42 = arith.subf %get3A_33, %sub3A_41 : f32
    %jit3A = arith.constant 0.000000e+00 : f32
    %max3A = vector.broadcast %jit3A : f32 to vector<16x128xf32>
    %max3A_43 = arith.maximumf %max3A, %sub3A : vector<16x128xf32>
    %min3A_44 = vector.broadcast %sub3A_42 : f32 to vector<16x128xf32>
    %min3A_45 = arith.minimumf %min3A_44, %max3A_43 : vector<16x128xf32>
    %mul3A_46 = arith.constant 5.000000e-01 : f32
    %mul3A_47 = vector.broadcast %mul3A_46 : f32 to vector<16x128xf32>
    %mul3A_48 = arith.mulf %mul3A_47, %mul3A_29 : vector<16x128xf32>
    %sub3A_49 = arith.subf %add3A_26, %mul3A_48 : vector<16x128xf32>
    %sub3A_50 = arith.constant 1.000000e+00 : f32
    %sub3A_51 = arith.subf %get3A_37, %sub3A_50 : f32
    %jit3A_52 = arith.constant 0.000000e+00 : f32
    %max3A_53 = vector.broadcast %jit3A_52 : f32 to vector<16x128xf32>
    %max3A_54 = arith.maximumf %max3A_53, %sub3A_49 : vector<16x128xf32>
    %min3A_55 = vector.broadcast %sub3A_51 : f32 to vector<16x128xf32>
    %min3A_56 = arith.minimumf %min3A_55, %max3A_54 : vector<16x128xf32>
    %mul3A_57 = arith.constant 5.000000e-01 : f32
    %mul3A_58 = vector.broadcast %mul3A_57 : f32 to vector<16x128xf32>
    %mul3A_59 = arith.mulf %mul3A_58, %mul3A_27 : vector<16x128xf32>
    %add3A_60 = arith.addf %add3A, %mul3A_59 : vector<16x128xf32>
    %sub3A_61 = arith.constant 1.000000e+00 : f32
    %sub3A_62 = arith.subf %get3A_33, %sub3A_61 : f32
    %jit3A_63 = arith.constant 0.000000e+00 : f32
    %max3A_64 = vector.broadcast %jit3A_63 : f32 to vector<16x128xf32>
    %max3A_65 = arith.maximumf %max3A_64, %add3A_60 : vector<16x128xf32>
    %min3A_66 = vector.broadcast %sub3A_62 : f32 to vector<16x128xf32>
    %min3A_67 = arith.minimumf %min3A_66, %max3A_65 : vector<16x128xf32>
    %mul3A_68 = arith.constant 5.000000e-01 : f32
    %mul3A_69 = vector.broadcast %mul3A_68 : f32 to vector<16x128xf32>
    %mul3A_70 = arith.mulf %mul3A_69, %mul3A_29 : vector<16x128xf32>
    %add3A_71 = arith.addf %add3A_26, %mul3A_70 : vector<16x128xf32>
    %sub3A_72 = arith.constant 1.000000e+00 : f32
    %sub3A_73 = arith.subf %get3A_37, %sub3A_72 : f32
    %jit3A_74 = arith.constant 0.000000e+00 : f32
    %max3A_75 = vector.broadcast %jit3A_74 : f32 to vector<16x128xf32>
    %max3A_76 = arith.maximumf %max3A_75, %add3A_71 : vector<16x128xf32>
    %min3A_77 = vector.broadcast %sub3A_73 : f32 to vector<16x128xf32>
    %min3A_78 = arith.minimumf %min3A_77, %max3A_76 : vector<16x128xf32>
    %swap3A = arith.constant 0 : index
    %swap3A_79 = arith.constant 0 : index
    %swap3A_80 = vector.load %arg8[%swap3A, %swap3A_79] : memref<16x128xf32, #tpu.memory_space<vmem>>, vector<16x128xf32>
    tpu.vector_store %arg8[%swap3A, %swap3A_79], %min3A_45 {strides = array<i32>} : memref<16x128xf32, #tpu.memory_space<vmem>>, vector<16x128xf32>,
    %swap3A_81 = arith.constant 0 : index
    %swap3A_82 = arith.constant 0 : index
    %swap3A_83 = vector.load %arg9[%swap3A_81, %swap3A_82] : memref<16x128xf32, #tpu.memory_space<vmem>>, vector<16x128xf32>
    tpu.vector_store %arg9[%swap3A_81, %swap3A_82], %min3A_56 {strides = array<i32>} : memref<16x128xf32, #tpu.memory_space<vmem>>, vector<16x128xf32>,
    %swap3A_84 = arith.constant 0 : index
    %swap3A_85 = arith.constant 0 : index
    %swap3A_86 = vector.load %arg10[%swap3A_84, %swap3A_85] : memref<16x128xf32, #tpu.memory_space<vmem>>, vector<16x128xf32>
    tpu.vector_store %arg10[%swap3A_84, %swap3A_85], %min3A_67 {strides = array<i32>} : memref<16x128xf32, #tpu.memory_space<vmem>>, vector<16x128xf32>,
    %swap3A_87 = arith.constant 0 : index
    %swap3A_88 = arith.constant 0 : index
    %swap3A_89 = vector.load %arg11[%swap3A_87, %swap3A_88] : memref<16x128xf32, #tpu.memory_space<vmem>>, vector<16x128xf32>
    tpu.vector_store %arg11[%swap3A_87, %swap3A_88], %min3A_78 {strides = array<i32>} : memref<16x128xf32, #tpu.memory_space<vmem>>, vector<16x128xf32>,
    %sub3A_90 = arith.subf %min3A_67, %min3A_45 : vector<16x128xf32>
    %max3A_91 = arith.constant 0.000000e+00 : f32
    %max3A_92 = vector.broadcast %max3A_91 : f32 to vector<16x128xf32>
    %max3A_93 = arith.maximumf %sub3A_90, %max3A_92 : vector<16x128xf32>
    %sub3A_94 = arith.subf %min3A_78, %min3A_56 : vector<16x128xf32>
    %max3A_95 = arith.constant 0.000000e+00 : f32
    %max3A_96 = vector.broadcast %max3A_95 : f32 to vector<16x128xf32>
    %max3A_97 = arith.maximumf %sub3A_94, %max3A_96 : vector<16x128xf32>
    %mul3A_98 = arith.mulf %max3A_93, %max3A_97 : vector<16x128xf32>
    %swap3A_99 = arith.constant 0 : index
    %swap3A_100 = arith.constant 0 : index
    %swap3A_101 = vector.load %arg12[%swap3A_99, %swap3A_100] : memref<16x128xf32, #tpu.memory_space<vmem>>, vector<16x128xf32>
    tpu.vector_store %arg12[%swap3A_99, %swap3A_100], %mul3A_98 {strides = array<i32>} : memref<16x128xf32, #tpu.memory_space<vmem>>, vector<16x128xf32>,
    return
  }
}

module attributes {stable_mosaic.version = 14 : i64} {
  func.func @_nms_kernel(%arg0: memref<16x128xf32, #tpu.memory_space<vmem>>, %arg1: memref<16x128xf32, #tpu.memory_space<vmem>>, %arg2: memref<16x128xf32, #tpu.memory_space<vmem>>, %arg3: memref<16x128xf32, #tpu.memory_space<vmem>>, %arg4: memref<16x128xf32, #tpu.memory_space<vmem>>, %arg5: memref<16x128xf32, #tpu.memory_space<vmem>>, %arg6: memref<2048xf32, #tpu.memory_space<smem>>, %arg7: memref<2048xf32, #tpu.memory_space<smem>>, %arg8: memref<2048xf32, #tpu.memory_space<smem>>, %arg9: memref<2048xf32, #tpu.memory_space<smem>>, %arg10: memref<2048xf32, #tpu.memory_space<smem>>, %arg11: memref<16x128xf32, #tpu.memory_space<vmem>>) attributes {dimension_semantics = [], scalar_prefetch = 0 : i64, scratch_operands = 0 : i64, tpu.core_type = #tpu.core_type<tc>} {
    %get3A = arith.constant 0 : index
    %get3A_0 = arith.constant 0 : index
    %get3A_1 = vector.load %arg1[%get3A, %get3A_0] : memref<16x128xf32, #tpu.memory_space<vmem>>, vector<16x128xf32>
    %get3A_2 = arith.constant 0 : index
    %get3A_3 = arith.constant 0 : index
    %get3A_4 = vector.load %arg2[%get3A_2, %get3A_3] : memref<16x128xf32, #tpu.memory_space<vmem>>, vector<16x128xf32>
    %get3A_5 = arith.constant 0 : index
    %get3A_6 = arith.constant 0 : index
    %get3A_7 = vector.load %arg3[%get3A_5, %get3A_6] : memref<16x128xf32, #tpu.memory_space<vmem>>, vector<16x128xf32>
    %get3A_8 = arith.constant 0 : index
    %get3A_9 = arith.constant 0 : index
    %get3A_10 = vector.load %arg4[%get3A_8, %get3A_9] : memref<16x128xf32, #tpu.memory_space<vmem>>, vector<16x128xf32>
    %get3A_11 = arith.constant 0 : index
    %get3A_12 = arith.constant 0 : index
    %get3A_13 = vector.load %arg5[%get3A_11, %get3A_12] : memref<16x128xf32, #tpu.memory_space<vmem>>, vector<16x128xf32>
    %iota3A = tpu.iota {dimensions = array<i32: 0>} : vector<16x128xi32>
    %mul3A = arith.constant 128 : i32
    %mul3A_14 = vector.broadcast %mul3A : i32 to vector<16x128xi32>
    %mul3A_15 = arith.muli %iota3A, %mul3A_14 : vector<16x128xi32>
    %iota3A_16 = tpu.iota {dimensions = array<i32: 1>} : vector<16x128xi32>
    %add3A = arith.addi %mul3A_15, %iota3A_16 : vector<16x128xi32>
    %broadcast_in_dim3A = arith.constant 0.000000e+00 : f32
    %broadcast_in_dim3A_17 = vector.broadcast %broadcast_in_dim3A : f32 to vector<16x128xf32>
    %scan3A = arith.constant 0 : i32
    %scan3A_18 = arith.constant 2000 : i32
    %scan3A_19 = arith.addi %scan3A, %scan3A_18 : i32
    %scan3A_20 = arith.constant 16 : i32
    %scan3A_21 = scf.for %scan3A_31 = %scan3A to %scan3A_19 step %scan3A_20 iter_args(%scan3A_32 = %broadcast_in_dim3A_17) -> (vector<16x128xf32>)  : i32 {
      %get3A_33 = arith.index_cast %scan3A_31 : i32 to index
      %get3A_34 = memref.load %arg6[%get3A_33] : memref<2048xf32, #tpu.memory_space<smem>>
      %get3A_35 = arith.index_cast %scan3A_31 : i32 to index
      %get3A_36 = memref.load %arg7[%get3A_35] : memref<2048xf32, #tpu.memory_space<smem>>
      %get3A_37 = arith.index_cast %scan3A_31 : i32 to index
      %get3A_38 = memref.load %arg8[%get3A_37] : memref<2048xf32, #tpu.memory_space<smem>>
      %get3A_39 = arith.index_cast %scan3A_31 : i32 to index
      %get3A_40 = memref.load %arg9[%get3A_39] : memref<2048xf32, #tpu.memory_space<smem>>
      %get3A_41 = arith.index_cast %scan3A_31 : i32 to index
      %get3A_42 = memref.load %arg10[%get3A_41] : memref<2048xf32, #tpu.memory_space<smem>>
      %min3A = vector.broadcast %get3A_38 : f32 to vector<16x128xf32>
      %min3A_43 = arith.minimumf %get3A_7, %min3A : vector<16x128xf32>
      %max3A = vector.broadcast %get3A_34 : f32 to vector<16x128xf32>
      %max3A_44 = arith.maximumf %get3A_1, %max3A : vector<16x128xf32>
      %sub3A = arith.subf %min3A_43, %max3A_44 : vector<16x128xf32>
      %max3A_45 = arith.constant 0.000000e+00 : f32
      %max3A_46 = vector.broadcast %max3A_45 : f32 to vector<16x128xf32>
      %max3A_47 = arith.maximumf %sub3A, %max3A_46 : vector<16x128xf32>
      %min3A_48 = vector.broadcast %get3A_40 : f32 to vector<16x128xf32>
      %min3A_49 = arith.minimumf %get3A_10, %min3A_48 : vector<16x128xf32>
      %max3A_50 = vector.broadcast %get3A_36 : f32 to vector<16x128xf32>
      %max3A_51 = arith.maximumf %get3A_4, %max3A_50 : vector<16x128xf32>
      %sub3A_52 = arith.subf %min3A_49, %max3A_51 : vector<16x128xf32>
      %max3A_53 = arith.constant 0.000000e+00 : f32
      %max3A_54 = vector.broadcast %max3A_53 : f32 to vector<16x128xf32>
      %max3A_55 = arith.maximumf %sub3A_52, %max3A_54 : vector<16x128xf32>
      %mul3A_56 = arith.mulf %max3A_47, %max3A_55 : vector<16x128xf32>
      %add3A_57 = vector.broadcast %get3A_42 : f32 to vector<16x128xf32>
      %add3A_58 = arith.addf %get3A_13, %add3A_57 : vector<16x128xf32>
      %sub3A_59 = arith.subf %add3A_58, %mul3A_56 : vector<16x128xf32>
      %max3A_60 = arith.constant 9.99999971E-10 : f32
      %max3A_61 = vector.broadcast %max3A_60 : f32 to vector<16x128xf32>
      %max3A_62 = arith.maximumf %sub3A_59, %max3A_61 : vector<16x128xf32>
      %div3A = arith.divf %mul3A_56, %max3A_62 : vector<16x128xf32>
      %gt3A_63 = arith.constant 0.699999988 : f32
      %gt3A_64 = vector.broadcast %gt3A_63 : f32 to vector<16x128xf32>
      %gt3A_65 = arith.cmpf ogt, %div3A, %gt3A_64 : vector<16x128xf32>
      %gt3A_66 = vector.broadcast %scan3A_31 : i32 to vector<16x128xi32>
      %gt3A_67 = arith.cmpi sgt, %add3A, %gt3A_66 : vector<16x128xi32>
      %and3A = arith.andi %gt3A_65, %gt3A_67 : vector<16x128xi1>
      %eq3A = vector.broadcast %scan3A_31 : i32 to vector<16x128xi32>
      %eq3A_68 = arith.cmpi eq, %add3A, %eq3A : vector<16x128xi32>
      %jit3A_69 = arith.constant 0.000000e+00 : f32
      %broadcast_in_dim3A_70 = vector.broadcast %jit3A_69 : f32 to vector<16x128xf32>
      %select_n3A_71 = arith.select %eq3A_68, %scan3A_32, %broadcast_in_dim3A_70 : vector<16x128xi1>, vector<16x128xf32>
      %reduce_max3A = vector.shape_cast %select_n3A_71 : vector<16x128xf32> to vector<1x16x128xf32>
      %reduce_max3A_72 = arith.constant dense<0xFF800000> : vector<1xf32>
      %reduce_max3A_73 = vector.multi_reduction <maximumf>, %reduce_max3A, %reduce_max3A_72 [1, 2] : vector<1x16x128xf32> to vector<1xf32>
      %reduce_max3A_74 = vector.shape_cast %reduce_max3A_73 : vector<1xf32> to vector<1x1x1xf32>
      %reduce_max3A_75 = vector.extract %reduce_max3A_74[0, 0, 0] : f32 from vector<1x1x1xf32>
      %gt3A_76 = arith.constant 5.000000e-01 : f32
      %gt3A_77 = arith.cmpf ogt, %reduce_max3A_75, %gt3A_76 : f32
      %jit3A_78 = arith.constant 0.000000e+00 : f32
      %jit3A_79 = arith.constant 1.000000e+00 : f32
      %select_n3A_80 = arith.select %gt3A_77, %jit3A_78, %jit3A_79 : f32
      %jit3A_81 = arith.constant 0.000000e+00 : f32
      %broadcast_in_dim3A_82 = vector.broadcast %select_n3A_80 : f32 to vector<16x128xf32>
      %broadcast_in_dim3A_83 = vector.broadcast %jit3A_81 : f32 to vector<16x128xf32>
      %select_n3A_84 = arith.select %and3A, %broadcast_in_dim3A_82, %broadcast_in_dim3A_83 : vector<16x128xi1>, vector<16x128xf32>
      %max3A_85 = arith.maximumf %scan3A_32, %select_n3A_84 : vector<16x128xf32>
      %scan3A_86 = arith.constant 1 : i32
      %scan3A_87 = arith.addi %scan3A_31, %scan3A_86 : i32
      %get3A_88 = arith.index_cast %scan3A_87 : i32 to index
      %get3A_89 = memref.load %arg6[%get3A_88] : memref<2048xf32, #tpu.memory_space<smem>>
      %get3A_90 = arith.index_cast %scan3A_87 : i32 to index
      %get3A_91 = memref.load %arg7[%get3A_90] : memref<2048xf32, #tpu.memory_space<smem>>
      %get3A_92 = arith.index_cast %scan3A_87 : i32 to index
      %get3A_93 = memref.load %arg8[%get3A_92] : memref<2048xf32, #tpu.memory_space<smem>>
      %get3A_94 = arith.index_cast %scan3A_87 : i32 to index
      %get3A_95 = memref.load %arg9[%get3A_94] : memref<2048xf32, #tpu.memory_space<smem>>
      %get3A_96 = arith.index_cast %scan3A_87 : i32 to index
      %get3A_97 = memref.load %arg10[%get3A_96] : memref<2048xf32, #tpu.memory_space<smem>>
      %min3A_98 = vector.broadcast %get3A_93 : f32 to vector<16x128xf32>
      %min3A_99 = arith.minimumf %get3A_7, %min3A_98 : vector<16x128xf32>
      %max3A_100 = vector.broadcast %get3A_89 : f32 to vector<16x128xf32>
      %max3A_101 = arith.maximumf %get3A_1, %max3A_100 : vector<16x128xf32>
      %sub3A_102 = arith.subf %min3A_99, %max3A_101 : vector<16x128xf32>
      %max3A_103 = arith.constant 0.000000e+00 : f32
      %max3A_104 = vector.broadcast %max3A_103 : f32 to vector<16x128xf32>
      %max3A_105 = arith.maximumf %sub3A_102, %max3A_104 : vector<16x128xf32>
      %min3A_106 = vector.broadcast %get3A_95 : f32 to vector<16x128xf32>
      %min3A_107 = arith.minimumf %get3A_10, %min3A_106 : vector<16x128xf32>
      %max3A_108 = vector.broadcast %get3A_91 : f32 to vector<16x128xf32>
      %max3A_109 = arith.maximumf %get3A_4, %max3A_108 : vector<16x128xf32>
      %sub3A_110 = arith.subf %min3A_107, %max3A_109 : vector<16x128xf32>
      %max3A_111 = arith.constant 0.000000e+00 : f32
      %max3A_112 = vector.broadcast %max3A_111 : f32 to vector<16x128xf32>
      %max3A_113 = arith.maximumf %sub3A_110, %max3A_112 : vector<16x128xf32>
      %mul3A_114 = arith.mulf %max3A_105, %max3A_113 : vector<16x128xf32>
      %add3A_115 = vector.broadcast %get3A_97 : f32 to vector<16x128xf32>
      %add3A_116 = arith.addf %get3A_13, %add3A_115 : vector<16x128xf32>
      %sub3A_117 = arith.subf %add3A_116, %mul3A_114 : vector<16x128xf32>
      %max3A_118 = arith.constant 9.99999971E-10 : f32
      %max3A_119 = vector.broadcast %max3A_118 : f32 to vector<16x128xf32>
      %max3A_120 = arith.maximumf %sub3A_117, %max3A_119 : vector<16x128xf32>
      %div3A_121 = arith.divf %mul3A_114, %max3A_120 : vector<16x128xf32>
      %gt3A_122 = arith.constant 0.699999988 : f32
      %gt3A_123 = vector.broadcast %gt3A_122 : f32 to vector<16x128xf32>
      %gt3A_124 = arith.cmpf ogt, %div3A_121, %gt3A_123 : vector<16x128xf32>
      %gt3A_125 = vector.broadcast %scan3A_87 : i32 to vector<16x128xi32>
      %gt3A_126 = arith.cmpi sgt, %add3A, %gt3A_125 : vector<16x128xi32>
      %and3A_127 = arith.andi %gt3A_124, %gt3A_126 : vector<16x128xi1>
      %eq3A_128 = vector.broadcast %scan3A_87 : i32 to vector<16x128xi32>
      %eq3A_129 = arith.cmpi eq, %add3A, %eq3A_128 : vector<16x128xi32>
      %jit3A_130 = arith.constant 0.000000e+00 : f32
      %broadcast_in_dim3A_131 = vector.broadcast %jit3A_130 : f32 to vector<16x128xf32>
      %select_n3A_132 = arith.select %eq3A_129, %max3A_85, %broadcast_in_dim3A_131 : vector<16x128xi1>, vector<16x128xf32>
      %reduce_max3A_133 = vector.shape_cast %select_n3A_132 : vector<16x128xf32> to vector<1x16x128xf32>
      %reduce_max3A_134 = arith.constant dense<0xFF800000> : vector<1xf32>
      %reduce_max3A_135 = vector.multi_reduction <maximumf>, %reduce_max3A_133, %reduce_max3A_134 [1, 2] : vector<1x16x128xf32> to vector<1xf32>
      %reduce_max3A_136 = vector.shape_cast %reduce_max3A_135 : vector<1xf32> to vector<1x1x1xf32>
      %reduce_max3A_137 = vector.extract %reduce_max3A_136[0, 0, 0] : f32 from vector<1x1x1xf32>
      %gt3A_138 = arith.constant 5.000000e-01 : f32
      %gt3A_139 = arith.cmpf ogt, %reduce_max3A_137, %gt3A_138 : f32
      %jit3A_140 = arith.constant 0.000000e+00 : f32
      %jit3A_141 = arith.constant 1.000000e+00 : f32
      %select_n3A_142 = arith.select %gt3A_139, %jit3A_140, %jit3A_141 : f32
      %jit3A_143 = arith.constant 0.000000e+00 : f32
      %broadcast_in_dim3A_144 = vector.broadcast %select_n3A_142 : f32 to vector<16x128xf32>
      %broadcast_in_dim3A_145 = vector.broadcast %jit3A_143 : f32 to vector<16x128xf32>
      %select_n3A_146 = arith.select %and3A_127, %broadcast_in_dim3A_144, %broadcast_in_dim3A_145 : vector<16x128xi1>, vector<16x128xf32>
      %max3A_147 = arith.maximumf %max3A_85, %select_n3A_146 : vector<16x128xf32>
      %scan3A_148 = arith.constant 2 : i32
      %scan3A_149 = arith.addi %scan3A_31, %scan3A_148 : i32
      %get3A_150 = arith.index_cast %scan3A_149 : i32 to index
      %get3A_151 = memref.load %arg6[%get3A_150] : memref<2048xf32, #tpu.memory_space<smem>>
      %get3A_152 = arith.index_cast %scan3A_149 : i32 to index
      %get3A_153 = memref.load %arg7[%get3A_152] : memref<2048xf32, #tpu.memory_space<smem>>
      %get3A_154 = arith.index_cast %scan3A_149 : i32 to index
      %get3A_155 = memref.load %arg8[%get3A_154] : memref<2048xf32, #tpu.memory_space<smem>>
      %get3A_156 = arith.index_cast %scan3A_149 : i32 to index
      %get3A_157 = memref.load %arg9[%get3A_156] : memref<2048xf32, #tpu.memory_space<smem>>
      %get3A_158 = arith.index_cast %scan3A_149 : i32 to index
      %get3A_159 = memref.load %arg10[%get3A_158] : memref<2048xf32, #tpu.memory_space<smem>>
      %min3A_160 = vector.broadcast %get3A_155 : f32 to vector<16x128xf32>
      %min3A_161 = arith.minimumf %get3A_7, %min3A_160 : vector<16x128xf32>
      %max3A_162 = vector.broadcast %get3A_151 : f32 to vector<16x128xf32>
      %max3A_163 = arith.maximumf %get3A_1, %max3A_162 : vector<16x128xf32>
      %sub3A_164 = arith.subf %min3A_161, %max3A_163 : vector<16x128xf32>
      %max3A_165 = arith.constant 0.000000e+00 : f32
      %max3A_166 = vector.broadcast %max3A_165 : f32 to vector<16x128xf32>
      %max3A_167 = arith.maximumf %sub3A_164, %max3A_166 : vector<16x128xf32>
      %min3A_168 = vector.broadcast %get3A_157 : f32 to vector<16x128xf32>
      %min3A_169 = arith.minimumf %get3A_10, %min3A_168 : vector<16x128xf32>
      %max3A_170 = vector.broadcast %get3A_153 : f32 to vector<16x128xf32>
      %max3A_171 = arith.maximumf %get3A_4, %max3A_170 : vector<16x128xf32>
      %sub3A_172 = arith.subf %min3A_169, %max3A_171 : vector<16x128xf32>
      %max3A_173 = arith.constant 0.000000e+00 : f32
      %max3A_174 = vector.broadcast %max3A_173 : f32 to vector<16x128xf32>
      %max3A_175 = arith.maximumf %sub3A_172, %max3A_174 : vector<16x128xf32>
      %mul3A_176 = arith.mulf %max3A_167, %max3A_175 : vector<16x128xf32>
      %add3A_177 = vector.broadcast %get3A_159 : f32 to vector<16x128xf32>
      %add3A_178 = arith.addf %get3A_13, %add3A_177 : vector<16x128xf32>
      %sub3A_179 = arith.subf %add3A_178, %mul3A_176 : vector<16x128xf32>
      %max3A_180 = arith.constant 9.99999971E-10 : f32
      %max3A_181 = vector.broadcast %max3A_180 : f32 to vector<16x128xf32>
      %max3A_182 = arith.maximumf %sub3A_179, %max3A_181 : vector<16x128xf32>
      %div3A_183 = arith.divf %mul3A_176, %max3A_182 : vector<16x128xf32>
      %gt3A_184 = arith.constant 0.699999988 : f32
      %gt3A_185 = vector.broadcast %gt3A_184 : f32 to vector<16x128xf32>
      %gt3A_186 = arith.cmpf ogt, %div3A_183, %gt3A_185 : vector<16x128xf32>
      %gt3A_187 = vector.broadcast %scan3A_149 : i32 to vector<16x128xi32>
      %gt3A_188 = arith.cmpi sgt, %add3A, %gt3A_187 : vector<16x128xi32>
      %and3A_189 = arith.andi %gt3A_186, %gt3A_188 : vector<16x128xi1>
      %eq3A_190 = vector.broadcast %scan3A_149 : i32 to vector<16x128xi32>
      %eq3A_191 = arith.cmpi eq, %add3A, %eq3A_190 : vector<16x128xi32>
      %jit3A_192 = arith.constant 0.000000e+00 : f32
      %broadcast_in_dim3A_193 = vector.broadcast %jit3A_192 : f32 to vector<16x128xf32>
      %select_n3A_194 = arith.select %eq3A_191, %max3A_147, %broadcast_in_dim3A_193 : vector<16x128xi1>, vector<16x128xf32>
      %reduce_max3A_195 = vector.shape_cast %select_n3A_194 : vector<16x128xf32> to vector<1x16x128xf32>
      %reduce_max3A_196 = arith.constant dense<0xFF800000> : vector<1xf32>
      %reduce_max3A_197 = vector.multi_reduction <maximumf>, %reduce_max3A_195, %reduce_max3A_196 [1, 2] : vector<1x16x128xf32> to vector<1xf32>
      %reduce_max3A_198 = vector.shape_cast %reduce_max3A_197 : vector<1xf32> to vector<1x1x1xf32>
      %reduce_max3A_199 = vector.extract %reduce_max3A_198[0, 0, 0] : f32 from vector<1x1x1xf32>
      %gt3A_200 = arith.constant 5.000000e-01 : f32
      %gt3A_201 = arith.cmpf ogt, %reduce_max3A_199, %gt3A_200 : f32
      %jit3A_202 = arith.constant 0.000000e+00 : f32
      %jit3A_203 = arith.constant 1.000000e+00 : f32
      %select_n3A_204 = arith.select %gt3A_201, %jit3A_202, %jit3A_203 : f32
      %jit3A_205 = arith.constant 0.000000e+00 : f32
      %broadcast_in_dim3A_206 = vector.broadcast %select_n3A_204 : f32 to vector<16x128xf32>
      %broadcast_in_dim3A_207 = vector.broadcast %jit3A_205 : f32 to vector<16x128xf32>
      %select_n3A_208 = arith.select %and3A_189, %broadcast_in_dim3A_206, %broadcast_in_dim3A_207 : vector<16x128xi1>, vector<16x128xf32>
      %max3A_209 = arith.maximumf %max3A_147, %select_n3A_208 : vector<16x128xf32>
      %scan3A_210 = arith.constant 3 : i32
      %scan3A_211 = arith.addi %scan3A_31, %scan3A_210 : i32
      %get3A_212 = arith.index_cast %scan3A_211 : i32 to index
      %get3A_213 = memref.load %arg6[%get3A_212] : memref<2048xf32, #tpu.memory_space<smem>>
      %get3A_214 = arith.index_cast %scan3A_211 : i32 to index
      %get3A_215 = memref.load %arg7[%get3A_214] : memref<2048xf32, #tpu.memory_space<smem>>
      %get3A_216 = arith.index_cast %scan3A_211 : i32 to index
      %get3A_217 = memref.load %arg8[%get3A_216] : memref<2048xf32, #tpu.memory_space<smem>>
      %get3A_218 = arith.index_cast %scan3A_211 : i32 to index
      %get3A_219 = memref.load %arg9[%get3A_218] : memref<2048xf32, #tpu.memory_space<smem>>
      %get3A_220 = arith.index_cast %scan3A_211 : i32 to index
      %get3A_221 = memref.load %arg10[%get3A_220] : memref<2048xf32, #tpu.memory_space<smem>>
      %min3A_222 = vector.broadcast %get3A_217 : f32 to vector<16x128xf32>
      %min3A_223 = arith.minimumf %get3A_7, %min3A_222 : vector<16x128xf32>
      %max3A_224 = vector.broadcast %get3A_213 : f32 to vector<16x128xf32>
      %max3A_225 = arith.maximumf %get3A_1, %max3A_224 : vector<16x128xf32>
      %sub3A_226 = arith.subf %min3A_223, %max3A_225 : vector<16x128xf32>
      %max3A_227 = arith.constant 0.000000e+00 : f32
      %max3A_228 = vector.broadcast %max3A_227 : f32 to vector<16x128xf32>
      %max3A_229 = arith.maximumf %sub3A_226, %max3A_228 : vector<16x128xf32>
      %min3A_230 = vector.broadcast %get3A_219 : f32 to vector<16x128xf32>
      %min3A_231 = arith.minimumf %get3A_10, %min3A_230 : vector<16x128xf32>
      %max3A_232 = vector.broadcast %get3A_215 : f32 to vector<16x128xf32>
      %max3A_233 = arith.maximumf %get3A_4, %max3A_232 : vector<16x128xf32>
      %sub3A_234 = arith.subf %min3A_231, %max3A_233 : vector<16x128xf32>
      %max3A_235 = arith.constant 0.000000e+00 : f32
      %max3A_236 = vector.broadcast %max3A_235 : f32 to vector<16x128xf32>
      %max3A_237 = arith.maximumf %sub3A_234, %max3A_236 : vector<16x128xf32>
      %mul3A_238 = arith.mulf %max3A_229, %max3A_237 : vector<16x128xf32>
      %add3A_239 = vector.broadcast %get3A_221 : f32 to vector<16x128xf32>
      %add3A_240 = arith.addf %get3A_13, %add3A_239 : vector<16x128xf32>
      %sub3A_241 = arith.subf %add3A_240, %mul3A_238 : vector<16x128xf32>
      %max3A_242 = arith.constant 9.99999971E-10 : f32
      %max3A_243 = vector.broadcast %max3A_242 : f32 to vector<16x128xf32>
      %max3A_244 = arith.maximumf %sub3A_241, %max3A_243 : vector<16x128xf32>
      %div3A_245 = arith.divf %mul3A_238, %max3A_244 : vector<16x128xf32>
      %gt3A_246 = arith.constant 0.699999988 : f32
      %gt3A_247 = vector.broadcast %gt3A_246 : f32 to vector<16x128xf32>
      %gt3A_248 = arith.cmpf ogt, %div3A_245, %gt3A_247 : vector<16x128xf32>
      %gt3A_249 = vector.broadcast %scan3A_211 : i32 to vector<16x128xi32>
      %gt3A_250 = arith.cmpi sgt, %add3A, %gt3A_249 : vector<16x128xi32>
      %and3A_251 = arith.andi %gt3A_248, %gt3A_250 : vector<16x128xi1>
      %eq3A_252 = vector.broadcast %scan3A_211 : i32 to vector<16x128xi32>
      %eq3A_253 = arith.cmpi eq, %add3A, %eq3A_252 : vector<16x128xi32>
      %jit3A_254 = arith.constant 0.000000e+00 : f32
      %broadcast_in_dim3A_255 = vector.broadcast %jit3A_254 : f32 to vector<16x128xf32>
      %select_n3A_256 = arith.select %eq3A_253, %max3A_209, %broadcast_in_dim3A_255 : vector<16x128xi1>, vector<16x128xf32>
      %reduce_max3A_257 = vector.shape_cast %select_n3A_256 : vector<16x128xf32> to vector<1x16x128xf32>
      %reduce_max3A_258 = arith.constant dense<0xFF800000> : vector<1xf32>
      %reduce_max3A_259 = vector.multi_reduction <maximumf>, %reduce_max3A_257, %reduce_max3A_258 [1, 2] : vector<1x16x128xf32> to vector<1xf32>
      %reduce_max3A_260 = vector.shape_cast %reduce_max3A_259 : vector<1xf32> to vector<1x1x1xf32>
      %reduce_max3A_261 = vector.extract %reduce_max3A_260[0, 0, 0] : f32 from vector<1x1x1xf32>
      %gt3A_262 = arith.constant 5.000000e-01 : f32
      %gt3A_263 = arith.cmpf ogt, %reduce_max3A_261, %gt3A_262 : f32
      %jit3A_264 = arith.constant 0.000000e+00 : f32
      %jit3A_265 = arith.constant 1.000000e+00 : f32
      %select_n3A_266 = arith.select %gt3A_263, %jit3A_264, %jit3A_265 : f32
      %jit3A_267 = arith.constant 0.000000e+00 : f32
      %broadcast_in_dim3A_268 = vector.broadcast %select_n3A_266 : f32 to vector<16x128xf32>
      %broadcast_in_dim3A_269 = vector.broadcast %jit3A_267 : f32 to vector<16x128xf32>
      %select_n3A_270 = arith.select %and3A_251, %broadcast_in_dim3A_268, %broadcast_in_dim3A_269 : vector<16x128xi1>, vector<16x128xf32>
      %max3A_271 = arith.maximumf %max3A_209, %select_n3A_270 : vector<16x128xf32>
      %scan3A_272 = arith.constant 4 : i32
      %scan3A_273 = arith.addi %scan3A_31, %scan3A_272 : i32
      %get3A_274 = arith.index_cast %scan3A_273 : i32 to index
      %get3A_275 = memref.load %arg6[%get3A_274] : memref<2048xf32, #tpu.memory_space<smem>>
      %get3A_276 = arith.index_cast %scan3A_273 : i32 to index
      %get3A_277 = memref.load %arg7[%get3A_276] : memref<2048xf32, #tpu.memory_space<smem>>
      %get3A_278 = arith.index_cast %scan3A_273 : i32 to index
      %get3A_279 = memref.load %arg8[%get3A_278] : memref<2048xf32, #tpu.memory_space<smem>>
      %get3A_280 = arith.index_cast %scan3A_273 : i32 to index
      %get3A_281 = memref.load %arg9[%get3A_280] : memref<2048xf32, #tpu.memory_space<smem>>
      %get3A_282 = arith.index_cast %scan3A_273 : i32 to index
      %get3A_283 = memref.load %arg10[%get3A_282] : memref<2048xf32, #tpu.memory_space<smem>>
      %min3A_284 = vector.broadcast %get3A_279 : f32 to vector<16x128xf32>
      %min3A_285 = arith.minimumf %get3A_7, %min3A_284 : vector<16x128xf32>
      %max3A_286 = vector.broadcast %get3A_275 : f32 to vector<16x128xf32>
      %max3A_287 = arith.maximumf %get3A_1, %max3A_286 : vector<16x128xf32>
      %sub3A_288 = arith.subf %min3A_285, %max3A_287 : vector<16x128xf32>
      %max3A_289 = arith.constant 0.000000e+00 : f32
      %max3A_290 = vector.broadcast %max3A_289 : f32 to vector<16x128xf32>
      %max3A_291 = arith.maximumf %sub3A_288, %max3A_290 : vector<16x128xf32>
      %min3A_292 = vector.broadcast %get3A_281 : f32 to vector<16x128xf32>
      %min3A_293 = arith.minimumf %get3A_10, %min3A_292 : vector<16x128xf32>
      %max3A_294 = vector.broadcast %get3A_277 : f32 to vector<16x128xf32>
      %max3A_295 = arith.maximumf %get3A_4, %max3A_294 : vector<16x128xf32>
      %sub3A_296 = arith.subf %min3A_293, %max3A_295 : vector<16x128xf32>
      %max3A_297 = arith.constant 0.000000e+00 : f32
      %max3A_298 = vector.broadcast %max3A_297 : f32 to vector<16x128xf32>
      %max3A_299 = arith.maximumf %sub3A_296, %max3A_298 : vector<16x128xf32>
      %mul3A_300 = arith.mulf %max3A_291, %max3A_299 : vector<16x128xf32>
      %add3A_301 = vector.broadcast %get3A_283 : f32 to vector<16x128xf32>
      %add3A_302 = arith.addf %get3A_13, %add3A_301 : vector<16x128xf32>
      %sub3A_303 = arith.subf %add3A_302, %mul3A_300 : vector<16x128xf32>
      %max3A_304 = arith.constant 9.99999971E-10 : f32
      %max3A_305 = vector.broadcast %max3A_304 : f32 to vector<16x128xf32>
      %max3A_306 = arith.maximumf %sub3A_303, %max3A_305 : vector<16x128xf32>
      %div3A_307 = arith.divf %mul3A_300, %max3A_306 : vector<16x128xf32>
      %gt3A_308 = arith.constant 0.699999988 : f32
      %gt3A_309 = vector.broadcast %gt3A_308 : f32 to vector<16x128xf32>
      %gt3A_310 = arith.cmpf ogt, %div3A_307, %gt3A_309 : vector<16x128xf32>
      %gt3A_311 = vector.broadcast %scan3A_273 : i32 to vector<16x128xi32>
      %gt3A_312 = arith.cmpi sgt, %add3A, %gt3A_311 : vector<16x128xi32>
      %and3A_313 = arith.andi %gt3A_310, %gt3A_312 : vector<16x128xi1>
      %eq3A_314 = vector.broadcast %scan3A_273 : i32 to vector<16x128xi32>
      %eq3A_315 = arith.cmpi eq, %add3A, %eq3A_314 : vector<16x128xi32>
      %jit3A_316 = arith.constant 0.000000e+00 : f32
      %broadcast_in_dim3A_317 = vector.broadcast %jit3A_316 : f32 to vector<16x128xf32>
      %select_n3A_318 = arith.select %eq3A_315, %max3A_271, %broadcast_in_dim3A_317 : vector<16x128xi1>, vector<16x128xf32>
      %reduce_max3A_319 = vector.shape_cast %select_n3A_318 : vector<16x128xf32> to vector<1x16x128xf32>
      %reduce_max3A_320 = arith.constant dense<0xFF800000> : vector<1xf32>
      %reduce_max3A_321 = vector.multi_reduction <maximumf>, %reduce_max3A_319, %reduce_max3A_320 [1, 2] : vector<1x16x128xf32> to vector<1xf32>
      %reduce_max3A_322 = vector.shape_cast %reduce_max3A_321 : vector<1xf32> to vector<1x1x1xf32>
      %reduce_max3A_323 = vector.extract %reduce_max3A_322[0, 0, 0] : f32 from vector<1x1x1xf32>
      %gt3A_324 = arith.constant 5.000000e-01 : f32
      %gt3A_325 = arith.cmpf ogt, %reduce_max3A_323, %gt3A_324 : f32
      %jit3A_326 = arith.constant 0.000000e+00 : f32
      %jit3A_327 = arith.constant 1.000000e+00 : f32
      %select_n3A_328 = arith.select %gt3A_325, %jit3A_326, %jit3A_327 : f32
      %jit3A_329 = arith.constant 0.000000e+00 : f32
      %broadcast_in_dim3A_330 = vector.broadcast %select_n3A_328 : f32 to vector<16x128xf32>
      %broadcast_in_dim3A_331 = vector.broadcast %jit3A_329 : f32 to vector<16x128xf32>
      %select_n3A_332 = arith.select %and3A_313, %broadcast_in_dim3A_330, %broadcast_in_dim3A_331 : vector<16x128xi1>, vector<16x128xf32>
      %max3A_333 = arith.maximumf %max3A_271, %select_n3A_332 : vector<16x128xf32>
      %scan3A_334 = arith.constant 5 : i32
      %scan3A_335 = arith.addi %scan3A_31, %scan3A_334 : i32
      %get3A_336 = arith.index_cast %scan3A_335 : i32 to index
      %get3A_337 = memref.load %arg6[%get3A_336] : memref<2048xf32, #tpu.memory_space<smem>>
      %get3A_338 = arith.index_cast %scan3A_335 : i32 to index
      %get3A_339 = memref.load %arg7[%get3A_338] : memref<2048xf32, #tpu.memory_space<smem>>
      %get3A_340 = arith.index_cast %scan3A_335 : i32 to index
      %get3A_341 = memref.load %arg8[%get3A_340] : memref<2048xf32, #tpu.memory_space<smem>>
      %get3A_342 = arith.index_cast %scan3A_335 : i32 to index
      %get3A_343 = memref.load %arg9[%get3A_342] : memref<2048xf32, #tpu.memory_space<smem>>
      %get3A_344 = arith.index_cast %scan3A_335 : i32 to index
      %get3A_345 = memref.load %arg10[%get3A_344] : memref<2048xf32, #tpu.memory_space<smem>>
      %min3A_346 = vector.broadcast %get3A_341 : f32 to vector<16x128xf32>
      %min3A_347 = arith.minimumf %get3A_7, %min3A_346 : vector<16x128xf32>
      %max3A_348 = vector.broadcast %get3A_337 : f32 to vector<16x128xf32>
      %max3A_349 = arith.maximumf %get3A_1, %max3A_348 : vector<16x128xf32>
      %sub3A_350 = arith.subf %min3A_347, %max3A_349 : vector<16x128xf32>
      %max3A_351 = arith.constant 0.000000e+00 : f32
      %max3A_352 = vector.broadcast %max3A_351 : f32 to vector<16x128xf32>
      %max3A_353 = arith.maximumf %sub3A_350, %max3A_352 : vector<16x128xf32>
      %min3A_354 = vector.broadcast %get3A_343 : f32 to vector<16x128xf32>
      %min3A_355 = arith.minimumf %get3A_10, %min3A_354 : vector<16x128xf32>
      %max3A_356 = vector.broadcast %get3A_339 : f32 to vector<16x128xf32>
      %max3A_357 = arith.maximumf %get3A_4, %max3A_356 : vector<16x128xf32>
      %sub3A_358 = arith.subf %min3A_355, %max3A_357 : vector<16x128xf32>
      %max3A_359 = arith.constant 0.000000e+00 : f32
      %max3A_360 = vector.broadcast %max3A_359 : f32 to vector<16x128xf32>
      %max3A_361 = arith.maximumf %sub3A_358, %max3A_360 : vector<16x128xf32>
      %mul3A_362 = arith.mulf %max3A_353, %max3A_361 : vector<16x128xf32>
      %add3A_363 = vector.broadcast %get3A_345 : f32 to vector<16x128xf32>
      %add3A_364 = arith.addf %get3A_13, %add3A_363 : vector<16x128xf32>
      %sub3A_365 = arith.subf %add3A_364, %mul3A_362 : vector<16x128xf32>
      %max3A_366 = arith.constant 9.99999971E-10 : f32
      %max3A_367 = vector.broadcast %max3A_366 : f32 to vector<16x128xf32>
      %max3A_368 = arith.maximumf %sub3A_365, %max3A_367 : vector<16x128xf32>
      %div3A_369 = arith.divf %mul3A_362, %max3A_368 : vector<16x128xf32>
      %gt3A_370 = arith.constant 0.699999988 : f32
      %gt3A_371 = vector.broadcast %gt3A_370 : f32 to vector<16x128xf32>
      %gt3A_372 = arith.cmpf ogt, %div3A_369, %gt3A_371 : vector<16x128xf32>
      %gt3A_373 = vector.broadcast %scan3A_335 : i32 to vector<16x128xi32>
      %gt3A_374 = arith.cmpi sgt, %add3A, %gt3A_373 : vector<16x128xi32>
      %and3A_375 = arith.andi %gt3A_372, %gt3A_374 : vector<16x128xi1>
      %eq3A_376 = vector.broadcast %scan3A_335 : i32 to vector<16x128xi32>
      %eq3A_377 = arith.cmpi eq, %add3A, %eq3A_376 : vector<16x128xi32>
      %jit3A_378 = arith.constant 0.000000e+00 : f32
      %broadcast_in_dim3A_379 = vector.broadcast %jit3A_378 : f32 to vector<16x128xf32>
      %select_n3A_380 = arith.select %eq3A_377, %max3A_333, %broadcast_in_dim3A_379 : vector<16x128xi1>, vector<16x128xf32>
      %reduce_max3A_381 = vector.shape_cast %select_n3A_380 : vector<16x128xf32> to vector<1x16x128xf32>
      %reduce_max3A_382 = arith.constant dense<0xFF800000> : vector<1xf32>
      %reduce_max3A_383 = vector.multi_reduction <maximumf>, %reduce_max3A_381, %reduce_max3A_382 [1, 2] : vector<1x16x128xf32> to vector<1xf32>
      %reduce_max3A_384 = vector.shape_cast %reduce_max3A_383 : vector<1xf32> to vector<1x1x1xf32>
      %reduce_max3A_385 = vector.extract %reduce_max3A_384[0, 0, 0] : f32 from vector<1x1x1xf32>
      %gt3A_386 = arith.constant 5.000000e-01 : f32
      %gt3A_387 = arith.cmpf ogt, %reduce_max3A_385, %gt3A_386 : f32
      %jit3A_388 = arith.constant 0.000000e+00 : f32
      %jit3A_389 = arith.constant 1.000000e+00 : f32
      %select_n3A_390 = arith.select %gt3A_387, %jit3A_388, %jit3A_389 : f32
      %jit3A_391 = arith.constant 0.000000e+00 : f32
      %broadcast_in_dim3A_392 = vector.broadcast %select_n3A_390 : f32 to vector<16x128xf32>
      %broadcast_in_dim3A_393 = vector.broadcast %jit3A_391 : f32 to vector<16x128xf32>
      %select_n3A_394 = arith.select %and3A_375, %broadcast_in_dim3A_392, %broadcast_in_dim3A_393 : vector<16x128xi1>, vector<16x128xf32>
      %max3A_395 = arith.maximumf %max3A_333, %select_n3A_394 : vector<16x128xf32>
      %scan3A_396 = arith.constant 6 : i32
      %scan3A_397 = arith.addi %scan3A_31, %scan3A_396 : i32
      %get3A_398 = arith.index_cast %scan3A_397 : i32 to index
      %get3A_399 = memref.load %arg6[%get3A_398] : memref<2048xf32, #tpu.memory_space<smem>>
      %get3A_400 = arith.index_cast %scan3A_397 : i32 to index
      %get3A_401 = memref.load %arg7[%get3A_400] : memref<2048xf32, #tpu.memory_space<smem>>
      %get3A_402 = arith.index_cast %scan3A_397 : i32 to index
      %get3A_403 = memref.load %arg8[%get3A_402] : memref<2048xf32, #tpu.memory_space<smem>>
      %get3A_404 = arith.index_cast %scan3A_397 : i32 to index
      %get3A_405 = memref.load %arg9[%get3A_404] : memref<2048xf32, #tpu.memory_space<smem>>
      %get3A_406 = arith.index_cast %scan3A_397 : i32 to index
      %get3A_407 = memref.load %arg10[%get3A_406] : memref<2048xf32, #tpu.memory_space<smem>>
      %min3A_408 = vector.broadcast %get3A_403 : f32 to vector<16x128xf32>
      %min3A_409 = arith.minimumf %get3A_7, %min3A_408 : vector<16x128xf32>
      %max3A_410 = vector.broadcast %get3A_399 : f32 to vector<16x128xf32>
      %max3A_411 = arith.maximumf %get3A_1, %max3A_410 : vector<16x128xf32>
      %sub3A_412 = arith.subf %min3A_409, %max3A_411 : vector<16x128xf32>
      %max3A_413 = arith.constant 0.000000e+00 : f32
      %max3A_414 = vector.broadcast %max3A_413 : f32 to vector<16x128xf32>
      %max3A_415 = arith.maximumf %sub3A_412, %max3A_414 : vector<16x128xf32>
      %min3A_416 = vector.broadcast %get3A_405 : f32 to vector<16x128xf32>
      %min3A_417 = arith.minimumf %get3A_10, %min3A_416 : vector<16x128xf32>
      %max3A_418 = vector.broadcast %get3A_401 : f32 to vector<16x128xf32>
      %max3A_419 = arith.maximumf %get3A_4, %max3A_418 : vector<16x128xf32>
      %sub3A_420 = arith.subf %min3A_417, %max3A_419 : vector<16x128xf32>
      %max3A_421 = arith.constant 0.000000e+00 : f32
      %max3A_422 = vector.broadcast %max3A_421 : f32 to vector<16x128xf32>
      %max3A_423 = arith.maximumf %sub3A_420, %max3A_422 : vector<16x128xf32>
      %mul3A_424 = arith.mulf %max3A_415, %max3A_423 : vector<16x128xf32>
      %add3A_425 = vector.broadcast %get3A_407 : f32 to vector<16x128xf32>
      %add3A_426 = arith.addf %get3A_13, %add3A_425 : vector<16x128xf32>
      %sub3A_427 = arith.subf %add3A_426, %mul3A_424 : vector<16x128xf32>
      %max3A_428 = arith.constant 9.99999971E-10 : f32
      %max3A_429 = vector.broadcast %max3A_428 : f32 to vector<16x128xf32>
      %max3A_430 = arith.maximumf %sub3A_427, %max3A_429 : vector<16x128xf32>
      %div3A_431 = arith.divf %mul3A_424, %max3A_430 : vector<16x128xf32>
      %gt3A_432 = arith.constant 0.699999988 : f32
      %gt3A_433 = vector.broadcast %gt3A_432 : f32 to vector<16x128xf32>
      %gt3A_434 = arith.cmpf ogt, %div3A_431, %gt3A_433 : vector<16x128xf32>
      %gt3A_435 = vector.broadcast %scan3A_397 : i32 to vector<16x128xi32>
      %gt3A_436 = arith.cmpi sgt, %add3A, %gt3A_435 : vector<16x128xi32>
      %and3A_437 = arith.andi %gt3A_434, %gt3A_436 : vector<16x128xi1>
      %eq3A_438 = vector.broadcast %scan3A_397 : i32 to vector<16x128xi32>
      %eq3A_439 = arith.cmpi eq, %add3A, %eq3A_438 : vector<16x128xi32>
      %jit3A_440 = arith.constant 0.000000e+00 : f32
      %broadcast_in_dim3A_441 = vector.broadcast %jit3A_440 : f32 to vector<16x128xf32>
      %select_n3A_442 = arith.select %eq3A_439, %max3A_395, %broadcast_in_dim3A_441 : vector<16x128xi1>, vector<16x128xf32>
      %reduce_max3A_443 = vector.shape_cast %select_n3A_442 : vector<16x128xf32> to vector<1x16x128xf32>
      %reduce_max3A_444 = arith.constant dense<0xFF800000> : vector<1xf32>
      %reduce_max3A_445 = vector.multi_reduction <maximumf>, %reduce_max3A_443, %reduce_max3A_444 [1, 2] : vector<1x16x128xf32> to vector<1xf32>
      %reduce_max3A_446 = vector.shape_cast %reduce_max3A_445 : vector<1xf32> to vector<1x1x1xf32>
      %reduce_max3A_447 = vector.extract %reduce_max3A_446[0, 0, 0] : f32 from vector<1x1x1xf32>
      %gt3A_448 = arith.constant 5.000000e-01 : f32
      %gt3A_449 = arith.cmpf ogt, %reduce_max3A_447, %gt3A_448 : f32
      %jit3A_450 = arith.constant 0.000000e+00 : f32
      %jit3A_451 = arith.constant 1.000000e+00 : f32
      %select_n3A_452 = arith.select %gt3A_449, %jit3A_450, %jit3A_451 : f32
      %jit3A_453 = arith.constant 0.000000e+00 : f32
      %broadcast_in_dim3A_454 = vector.broadcast %select_n3A_452 : f32 to vector<16x128xf32>
      %broadcast_in_dim3A_455 = vector.broadcast %jit3A_453 : f32 to vector<16x128xf32>
      %select_n3A_456 = arith.select %and3A_437, %broadcast_in_dim3A_454, %broadcast_in_dim3A_455 : vector<16x128xi1>, vector<16x128xf32>
      %max3A_457 = arith.maximumf %max3A_395, %select_n3A_456 : vector<16x128xf32>
      %scan3A_458 = arith.constant 7 : i32
      %scan3A_459 = arith.addi %scan3A_31, %scan3A_458 : i32
      %get3A_460 = arith.index_cast %scan3A_459 : i32 to index
      %get3A_461 = memref.load %arg6[%get3A_460] : memref<2048xf32, #tpu.memory_space<smem>>
      %get3A_462 = arith.index_cast %scan3A_459 : i32 to index
      %get3A_463 = memref.load %arg7[%get3A_462] : memref<2048xf32, #tpu.memory_space<smem>>
      %get3A_464 = arith.index_cast %scan3A_459 : i32 to index
      %get3A_465 = memref.load %arg8[%get3A_464] : memref<2048xf32, #tpu.memory_space<smem>>
      %get3A_466 = arith.index_cast %scan3A_459 : i32 to index
      %get3A_467 = memref.load %arg9[%get3A_466] : memref<2048xf32, #tpu.memory_space<smem>>
      %get3A_468 = arith.index_cast %scan3A_459 : i32 to index
      %get3A_469 = memref.load %arg10[%get3A_468] : memref<2048xf32, #tpu.memory_space<smem>>
      %min3A_470 = vector.broadcast %get3A_465 : f32 to vector<16x128xf32>
      %min3A_471 = arith.minimumf %get3A_7, %min3A_470 : vector<16x128xf32>
      %max3A_472 = vector.broadcast %get3A_461 : f32 to vector<16x128xf32>
      %max3A_473 = arith.maximumf %get3A_1, %max3A_472 : vector<16x128xf32>
      %sub3A_474 = arith.subf %min3A_471, %max3A_473 : vector<16x128xf32>
      %max3A_475 = arith.constant 0.000000e+00 : f32
      %max3A_476 = vector.broadcast %max3A_475 : f32 to vector<16x128xf32>
      %max3A_477 = arith.maximumf %sub3A_474, %max3A_476 : vector<16x128xf32>
      %min3A_478 = vector.broadcast %get3A_467 : f32 to vector<16x128xf32>
      %min3A_479 = arith.minimumf %get3A_10, %min3A_478 : vector<16x128xf32>
      %max3A_480 = vector.broadcast %get3A_463 : f32 to vector<16x128xf32>
      %max3A_481 = arith.maximumf %get3A_4, %max3A_480 : vector<16x128xf32>
      %sub3A_482 = arith.subf %min3A_479, %max3A_481 : vector<16x128xf32>
      %max3A_483 = arith.constant 0.000000e+00 : f32
      %max3A_484 = vector.broadcast %max3A_483 : f32 to vector<16x128xf32>
      %max3A_485 = arith.maximumf %sub3A_482, %max3A_484 : vector<16x128xf32>
      %mul3A_486 = arith.mulf %max3A_477, %max3A_485 : vector<16x128xf32>
      %add3A_487 = vector.broadcast %get3A_469 : f32 to vector<16x128xf32>
      %add3A_488 = arith.addf %get3A_13, %add3A_487 : vector<16x128xf32>
      %sub3A_489 = arith.subf %add3A_488, %mul3A_486 : vector<16x128xf32>
      %max3A_490 = arith.constant 9.99999971E-10 : f32
      %max3A_491 = vector.broadcast %max3A_490 : f32 to vector<16x128xf32>
      %max3A_492 = arith.maximumf %sub3A_489, %max3A_491 : vector<16x128xf32>
      %div3A_493 = arith.divf %mul3A_486, %max3A_492 : vector<16x128xf32>
      %gt3A_494 = arith.constant 0.699999988 : f32
      %gt3A_495 = vector.broadcast %gt3A_494 : f32 to vector<16x128xf32>
      %gt3A_496 = arith.cmpf ogt, %div3A_493, %gt3A_495 : vector<16x128xf32>
      %gt3A_497 = vector.broadcast %scan3A_459 : i32 to vector<16x128xi32>
      %gt3A_498 = arith.cmpi sgt, %add3A, %gt3A_497 : vector<16x128xi32>
      %and3A_499 = arith.andi %gt3A_496, %gt3A_498 : vector<16x128xi1>
      %eq3A_500 = vector.broadcast %scan3A_459 : i32 to vector<16x128xi32>
      %eq3A_501 = arith.cmpi eq, %add3A, %eq3A_500 : vector<16x128xi32>
      %jit3A_502 = arith.constant 0.000000e+00 : f32
      %broadcast_in_dim3A_503 = vector.broadcast %jit3A_502 : f32 to vector<16x128xf32>
      %select_n3A_504 = arith.select %eq3A_501, %max3A_457, %broadcast_in_dim3A_503 : vector<16x128xi1>, vector<16x128xf32>
      %reduce_max3A_505 = vector.shape_cast %select_n3A_504 : vector<16x128xf32> to vector<1x16x128xf32>
      %reduce_max3A_506 = arith.constant dense<0xFF800000> : vector<1xf32>
      %reduce_max3A_507 = vector.multi_reduction <maximumf>, %reduce_max3A_505, %reduce_max3A_506 [1, 2] : vector<1x16x128xf32> to vector<1xf32>
      %reduce_max3A_508 = vector.shape_cast %reduce_max3A_507 : vector<1xf32> to vector<1x1x1xf32>
      %reduce_max3A_509 = vector.extract %reduce_max3A_508[0, 0, 0] : f32 from vector<1x1x1xf32>
      %gt3A_510 = arith.constant 5.000000e-01 : f32
      %gt3A_511 = arith.cmpf ogt, %reduce_max3A_509, %gt3A_510 : f32
      %jit3A_512 = arith.constant 0.000000e+00 : f32
      %jit3A_513 = arith.constant 1.000000e+00 : f32
      %select_n3A_514 = arith.select %gt3A_511, %jit3A_512, %jit3A_513 : f32
      %jit3A_515 = arith.constant 0.000000e+00 : f32
      %broadcast_in_dim3A_516 = vector.broadcast %select_n3A_514 : f32 to vector<16x128xf32>
      %broadcast_in_dim3A_517 = vector.broadcast %jit3A_515 : f32 to vector<16x128xf32>
      %select_n3A_518 = arith.select %and3A_499, %broadcast_in_dim3A_516, %broadcast_in_dim3A_517 : vector<16x128xi1>, vector<16x128xf32>
      %max3A_519 = arith.maximumf %max3A_457, %select_n3A_518 : vector<16x128xf32>
      %scan3A_520 = arith.constant 8 : i32
      %scan3A_521 = arith.addi %scan3A_31, %scan3A_520 : i32
      %get3A_522 = arith.index_cast %scan3A_521 : i32 to index
      %get3A_523 = memref.load %arg6[%get3A_522] : memref<2048xf32, #tpu.memory_space<smem>>
      %get3A_524 = arith.index_cast %scan3A_521 : i32 to index
      %get3A_525 = memref.load %arg7[%get3A_524] : memref<2048xf32, #tpu.memory_space<smem>>
      %get3A_526 = arith.index_cast %scan3A_521 : i32 to index
      %get3A_527 = memref.load %arg8[%get3A_526] : memref<2048xf32, #tpu.memory_space<smem>>
      %get3A_528 = arith.index_cast %scan3A_521 : i32 to index
      %get3A_529 = memref.load %arg9[%get3A_528] : memref<2048xf32, #tpu.memory_space<smem>>
      %get3A_530 = arith.index_cast %scan3A_521 : i32 to index
      %get3A_531 = memref.load %arg10[%get3A_530] : memref<2048xf32, #tpu.memory_space<smem>>
      %min3A_532 = vector.broadcast %get3A_527 : f32 to vector<16x128xf32>
      %min3A_533 = arith.minimumf %get3A_7, %min3A_532 : vector<16x128xf32>
      %max3A_534 = vector.broadcast %get3A_523 : f32 to vector<16x128xf32>
      %max3A_535 = arith.maximumf %get3A_1, %max3A_534 : vector<16x128xf32>
      %sub3A_536 = arith.subf %min3A_533, %max3A_535 : vector<16x128xf32>
      %max3A_537 = arith.constant 0.000000e+00 : f32
      %max3A_538 = vector.broadcast %max3A_537 : f32 to vector<16x128xf32>
      %max3A_539 = arith.maximumf %sub3A_536, %max3A_538 : vector<16x128xf32>
      %min3A_540 = vector.broadcast %get3A_529 : f32 to vector<16x128xf32>
      %min3A_541 = arith.minimumf %get3A_10, %min3A_540 : vector<16x128xf32>
      %max3A_542 = vector.broadcast %get3A_525 : f32 to vector<16x128xf32>
      %max3A_543 = arith.maximumf %get3A_4, %max3A_542 : vector<16x128xf32>
      %sub3A_544 = arith.subf %min3A_541, %max3A_543 : vector<16x128xf32>
      %max3A_545 = arith.constant 0.000000e+00 : f32
      %max3A_546 = vector.broadcast %max3A_545 : f32 to vector<16x128xf32>
      %max3A_547 = arith.maximumf %sub3A_544, %max3A_546 : vector<16x128xf32>
      %mul3A_548 = arith.mulf %max3A_539, %max3A_547 : vector<16x128xf32>
      %add3A_549 = vector.broadcast %get3A_531 : f32 to vector<16x128xf32>
      %add3A_550 = arith.addf %get3A_13, %add3A_549 : vector<16x128xf32>
      %sub3A_551 = arith.subf %add3A_550, %mul3A_548 : vector<16x128xf32>
      %max3A_552 = arith.constant 9.99999971E-10 : f32
      %max3A_553 = vector.broadcast %max3A_552 : f32 to vector<16x128xf32>
      %max3A_554 = arith.maximumf %sub3A_551, %max3A_553 : vector<16x128xf32>
      %div3A_555 = arith.divf %mul3A_548, %max3A_554 : vector<16x128xf32>
      %gt3A_556 = arith.constant 0.699999988 : f32
      %gt3A_557 = vector.broadcast %gt3A_556 : f32 to vector<16x128xf32>
      %gt3A_558 = arith.cmpf ogt, %div3A_555, %gt3A_557 : vector<16x128xf32>
      %gt3A_559 = vector.broadcast %scan3A_521 : i32 to vector<16x128xi32>
      %gt3A_560 = arith.cmpi sgt, %add3A, %gt3A_559 : vector<16x128xi32>
      %and3A_561 = arith.andi %gt3A_558, %gt3A_560 : vector<16x128xi1>
      %eq3A_562 = vector.broadcast %scan3A_521 : i32 to vector<16x128xi32>
      %eq3A_563 = arith.cmpi eq, %add3A, %eq3A_562 : vector<16x128xi32>
      %jit3A_564 = arith.constant 0.000000e+00 : f32
      %broadcast_in_dim3A_565 = vector.broadcast %jit3A_564 : f32 to vector<16x128xf32>
      %select_n3A_566 = arith.select %eq3A_563, %max3A_519, %broadcast_in_dim3A_565 : vector<16x128xi1>, vector<16x128xf32>
      %reduce_max3A_567 = vector.shape_cast %select_n3A_566 : vector<16x128xf32> to vector<1x16x128xf32>
      %reduce_max3A_568 = arith.constant dense<0xFF800000> : vector<1xf32>
      %reduce_max3A_569 = vector.multi_reduction <maximumf>, %reduce_max3A_567, %reduce_max3A_568 [1, 2] : vector<1x16x128xf32> to vector<1xf32>
      %reduce_max3A_570 = vector.shape_cast %reduce_max3A_569 : vector<1xf32> to vector<1x1x1xf32>
      %reduce_max3A_571 = vector.extract %reduce_max3A_570[0, 0, 0] : f32 from vector<1x1x1xf32>
      %gt3A_572 = arith.constant 5.000000e-01 : f32
      %gt3A_573 = arith.cmpf ogt, %reduce_max3A_571, %gt3A_572 : f32
      %jit3A_574 = arith.constant 0.000000e+00 : f32
      %jit3A_575 = arith.constant 1.000000e+00 : f32
      %select_n3A_576 = arith.select %gt3A_573, %jit3A_574, %jit3A_575 : f32
      %jit3A_577 = arith.constant 0.000000e+00 : f32
      %broadcast_in_dim3A_578 = vector.broadcast %select_n3A_576 : f32 to vector<16x128xf32>
      %broadcast_in_dim3A_579 = vector.broadcast %jit3A_577 : f32 to vector<16x128xf32>
      %select_n3A_580 = arith.select %and3A_561, %broadcast_in_dim3A_578, %broadcast_in_dim3A_579 : vector<16x128xi1>, vector<16x128xf32>
      %max3A_581 = arith.maximumf %max3A_519, %select_n3A_580 : vector<16x128xf32>
      %scan3A_582 = arith.constant 9 : i32
      %scan3A_583 = arith.addi %scan3A_31, %scan3A_582 : i32
      %get3A_584 = arith.index_cast %scan3A_583 : i32 to index
      %get3A_585 = memref.load %arg6[%get3A_584] : memref<2048xf32, #tpu.memory_space<smem>>
      %get3A_586 = arith.index_cast %scan3A_583 : i32 to index
      %get3A_587 = memref.load %arg7[%get3A_586] : memref<2048xf32, #tpu.memory_space<smem>>
      %get3A_588 = arith.index_cast %scan3A_583 : i32 to index
      %get3A_589 = memref.load %arg8[%get3A_588] : memref<2048xf32, #tpu.memory_space<smem>>
      %get3A_590 = arith.index_cast %scan3A_583 : i32 to index
      %get3A_591 = memref.load %arg9[%get3A_590] : memref<2048xf32, #tpu.memory_space<smem>>
      %get3A_592 = arith.index_cast %scan3A_583 : i32 to index
      %get3A_593 = memref.load %arg10[%get3A_592] : memref<2048xf32, #tpu.memory_space<smem>>
      %min3A_594 = vector.broadcast %get3A_589 : f32 to vector<16x128xf32>
      %min3A_595 = arith.minimumf %get3A_7, %min3A_594 : vector<16x128xf32>
      %max3A_596 = vector.broadcast %get3A_585 : f32 to vector<16x128xf32>
      %max3A_597 = arith.maximumf %get3A_1, %max3A_596 : vector<16x128xf32>
      %sub3A_598 = arith.subf %min3A_595, %max3A_597 : vector<16x128xf32>
      %max3A_599 = arith.constant 0.000000e+00 : f32
      %max3A_600 = vector.broadcast %max3A_599 : f32 to vector<16x128xf32>
      %max3A_601 = arith.maximumf %sub3A_598, %max3A_600 : vector<16x128xf32>
      %min3A_602 = vector.broadcast %get3A_591 : f32 to vector<16x128xf32>
      %min3A_603 = arith.minimumf %get3A_10, %min3A_602 : vector<16x128xf32>
      %max3A_604 = vector.broadcast %get3A_587 : f32 to vector<16x128xf32>
      %max3A_605 = arith.maximumf %get3A_4, %max3A_604 : vector<16x128xf32>
      %sub3A_606 = arith.subf %min3A_603, %max3A_605 : vector<16x128xf32>
      %max3A_607 = arith.constant 0.000000e+00 : f32
      %max3A_608 = vector.broadcast %max3A_607 : f32 to vector<16x128xf32>
      %max3A_609 = arith.maximumf %sub3A_606, %max3A_608 : vector<16x128xf32>
      %mul3A_610 = arith.mulf %max3A_601, %max3A_609 : vector<16x128xf32>
      %add3A_611 = vector.broadcast %get3A_593 : f32 to vector<16x128xf32>
      %add3A_612 = arith.addf %get3A_13, %add3A_611 : vector<16x128xf32>
      %sub3A_613 = arith.subf %add3A_612, %mul3A_610 : vector<16x128xf32>
      %max3A_614 = arith.constant 9.99999971E-10 : f32
      %max3A_615 = vector.broadcast %max3A_614 : f32 to vector<16x128xf32>
      %max3A_616 = arith.maximumf %sub3A_613, %max3A_615 : vector<16x128xf32>
      %div3A_617 = arith.divf %mul3A_610, %max3A_616 : vector<16x128xf32>
      %gt3A_618 = arith.constant 0.699999988 : f32
      %gt3A_619 = vector.broadcast %gt3A_618 : f32 to vector<16x128xf32>
      %gt3A_620 = arith.cmpf ogt, %div3A_617, %gt3A_619 : vector<16x128xf32>
      %gt3A_621 = vector.broadcast %scan3A_583 : i32 to vector<16x128xi32>
      %gt3A_622 = arith.cmpi sgt, %add3A, %gt3A_621 : vector<16x128xi32>
      %and3A_623 = arith.andi %gt3A_620, %gt3A_622 : vector<16x128xi1>
      %eq3A_624 = vector.broadcast %scan3A_583 : i32 to vector<16x128xi32>
      %eq3A_625 = arith.cmpi eq, %add3A, %eq3A_624 : vector<16x128xi32>
      %jit3A_626 = arith.constant 0.000000e+00 : f32
      %broadcast_in_dim3A_627 = vector.broadcast %jit3A_626 : f32 to vector<16x128xf32>
      %select_n3A_628 = arith.select %eq3A_625, %max3A_581, %broadcast_in_dim3A_627 : vector<16x128xi1>, vector<16x128xf32>
      %reduce_max3A_629 = vector.shape_cast %select_n3A_628 : vector<16x128xf32> to vector<1x16x128xf32>
      %reduce_max3A_630 = arith.constant dense<0xFF800000> : vector<1xf32>
      %reduce_max3A_631 = vector.multi_reduction <maximumf>, %reduce_max3A_629, %reduce_max3A_630 [1, 2] : vector<1x16x128xf32> to vector<1xf32>
      %reduce_max3A_632 = vector.shape_cast %reduce_max3A_631 : vector<1xf32> to vector<1x1x1xf32>
      %reduce_max3A_633 = vector.extract %reduce_max3A_632[0, 0, 0] : f32 from vector<1x1x1xf32>
      %gt3A_634 = arith.constant 5.000000e-01 : f32
      %gt3A_635 = arith.cmpf ogt, %reduce_max3A_633, %gt3A_634 : f32
      %jit3A_636 = arith.constant 0.000000e+00 : f32
      %jit3A_637 = arith.constant 1.000000e+00 : f32
      %select_n3A_638 = arith.select %gt3A_635, %jit3A_636, %jit3A_637 : f32
      %jit3A_639 = arith.constant 0.000000e+00 : f32
      %broadcast_in_dim3A_640 = vector.broadcast %select_n3A_638 : f32 to vector<16x128xf32>
      %broadcast_in_dim3A_641 = vector.broadcast %jit3A_639 : f32 to vector<16x128xf32>
      %select_n3A_642 = arith.select %and3A_623, %broadcast_in_dim3A_640, %broadcast_in_dim3A_641 : vector<16x128xi1>, vector<16x128xf32>
      %max3A_643 = arith.maximumf %max3A_581, %select_n3A_642 : vector<16x128xf32>
      %scan3A_644 = arith.constant 10 : i32
      %scan3A_645 = arith.addi %scan3A_31, %scan3A_644 : i32
      %get3A_646 = arith.index_cast %scan3A_645 : i32 to index
      %get3A_647 = memref.load %arg6[%get3A_646] : memref<2048xf32, #tpu.memory_space<smem>>
      %get3A_648 = arith.index_cast %scan3A_645 : i32 to index
      %get3A_649 = memref.load %arg7[%get3A_648] : memref<2048xf32, #tpu.memory_space<smem>>
      %get3A_650 = arith.index_cast %scan3A_645 : i32 to index
      %get3A_651 = memref.load %arg8[%get3A_650] : memref<2048xf32, #tpu.memory_space<smem>>
      %get3A_652 = arith.index_cast %scan3A_645 : i32 to index
      %get3A_653 = memref.load %arg9[%get3A_652] : memref<2048xf32, #tpu.memory_space<smem>>
      %get3A_654 = arith.index_cast %scan3A_645 : i32 to index
      %get3A_655 = memref.load %arg10[%get3A_654] : memref<2048xf32, #tpu.memory_space<smem>>
      %min3A_656 = vector.broadcast %get3A_651 : f32 to vector<16x128xf32>
      %min3A_657 = arith.minimumf %get3A_7, %min3A_656 : vector<16x128xf32>
      %max3A_658 = vector.broadcast %get3A_647 : f32 to vector<16x128xf32>
      %max3A_659 = arith.maximumf %get3A_1, %max3A_658 : vector<16x128xf32>
      %sub3A_660 = arith.subf %min3A_657, %max3A_659 : vector<16x128xf32>
      %max3A_661 = arith.constant 0.000000e+00 : f32
      %max3A_662 = vector.broadcast %max3A_661 : f32 to vector<16x128xf32>
      %max3A_663 = arith.maximumf %sub3A_660, %max3A_662 : vector<16x128xf32>
      %min3A_664 = vector.broadcast %get3A_653 : f32 to vector<16x128xf32>
      %min3A_665 = arith.minimumf %get3A_10, %min3A_664 : vector<16x128xf32>
      %max3A_666 = vector.broadcast %get3A_649 : f32 to vector<16x128xf32>
      %max3A_667 = arith.maximumf %get3A_4, %max3A_666 : vector<16x128xf32>
      %sub3A_668 = arith.subf %min3A_665, %max3A_667 : vector<16x128xf32>
      %max3A_669 = arith.constant 0.000000e+00 : f32
      %max3A_670 = vector.broadcast %max3A_669 : f32 to vector<16x128xf32>
      %max3A_671 = arith.maximumf %sub3A_668, %max3A_670 : vector<16x128xf32>
      %mul3A_672 = arith.mulf %max3A_663, %max3A_671 : vector<16x128xf32>
      %add3A_673 = vector.broadcast %get3A_655 : f32 to vector<16x128xf32>
      %add3A_674 = arith.addf %get3A_13, %add3A_673 : vector<16x128xf32>
      %sub3A_675 = arith.subf %add3A_674, %mul3A_672 : vector<16x128xf32>
      %max3A_676 = arith.constant 9.99999971E-10 : f32
      %max3A_677 = vector.broadcast %max3A_676 : f32 to vector<16x128xf32>
      %max3A_678 = arith.maximumf %sub3A_675, %max3A_677 : vector<16x128xf32>
      %div3A_679 = arith.divf %mul3A_672, %max3A_678 : vector<16x128xf32>
      %gt3A_680 = arith.constant 0.699999988 : f32
      %gt3A_681 = vector.broadcast %gt3A_680 : f32 to vector<16x128xf32>
      %gt3A_682 = arith.cmpf ogt, %div3A_679, %gt3A_681 : vector<16x128xf32>
      %gt3A_683 = vector.broadcast %scan3A_645 : i32 to vector<16x128xi32>
      %gt3A_684 = arith.cmpi sgt, %add3A, %gt3A_683 : vector<16x128xi32>
      %and3A_685 = arith.andi %gt3A_682, %gt3A_684 : vector<16x128xi1>
      %eq3A_686 = vector.broadcast %scan3A_645 : i32 to vector<16x128xi32>
      %eq3A_687 = arith.cmpi eq, %add3A, %eq3A_686 : vector<16x128xi32>
      %jit3A_688 = arith.constant 0.000000e+00 : f32
      %broadcast_in_dim3A_689 = vector.broadcast %jit3A_688 : f32 to vector<16x128xf32>
      %select_n3A_690 = arith.select %eq3A_687, %max3A_643, %broadcast_in_dim3A_689 : vector<16x128xi1>, vector<16x128xf32>
      %reduce_max3A_691 = vector.shape_cast %select_n3A_690 : vector<16x128xf32> to vector<1x16x128xf32>
      %reduce_max3A_692 = arith.constant dense<0xFF800000> : vector<1xf32>
      %reduce_max3A_693 = vector.multi_reduction <maximumf>, %reduce_max3A_691, %reduce_max3A_692 [1, 2] : vector<1x16x128xf32> to vector<1xf32>
      %reduce_max3A_694 = vector.shape_cast %reduce_max3A_693 : vector<1xf32> to vector<1x1x1xf32>
      %reduce_max3A_695 = vector.extract %reduce_max3A_694[0, 0, 0] : f32 from vector<1x1x1xf32>
      %gt3A_696 = arith.constant 5.000000e-01 : f32
      %gt3A_697 = arith.cmpf ogt, %reduce_max3A_695, %gt3A_696 : f32
      %jit3A_698 = arith.constant 0.000000e+00 : f32
      %jit3A_699 = arith.constant 1.000000e+00 : f32
      %select_n3A_700 = arith.select %gt3A_697, %jit3A_698, %jit3A_699 : f32
      %jit3A_701 = arith.constant 0.000000e+00 : f32
      %broadcast_in_dim3A_702 = vector.broadcast %select_n3A_700 : f32 to vector<16x128xf32>
      %broadcast_in_dim3A_703 = vector.broadcast %jit3A_701 : f32 to vector<16x128xf32>
      %select_n3A_704 = arith.select %and3A_685, %broadcast_in_dim3A_702, %broadcast_in_dim3A_703 : vector<16x128xi1>, vector<16x128xf32>
      %max3A_705 = arith.maximumf %max3A_643, %select_n3A_704 : vector<16x128xf32>
      %scan3A_706 = arith.constant 11 : i32
      %scan3A_707 = arith.addi %scan3A_31, %scan3A_706 : i32
      %get3A_708 = arith.index_cast %scan3A_707 : i32 to index
      %get3A_709 = memref.load %arg6[%get3A_708] : memref<2048xf32, #tpu.memory_space<smem>>
      %get3A_710 = arith.index_cast %scan3A_707 : i32 to index
      %get3A_711 = memref.load %arg7[%get3A_710] : memref<2048xf32, #tpu.memory_space<smem>>
      %get3A_712 = arith.index_cast %scan3A_707 : i32 to index
      %get3A_713 = memref.load %arg8[%get3A_712] : memref<2048xf32, #tpu.memory_space<smem>>
      %get3A_714 = arith.index_cast %scan3A_707 : i32 to index
      %get3A_715 = memref.load %arg9[%get3A_714] : memref<2048xf32, #tpu.memory_space<smem>>
      %get3A_716 = arith.index_cast %scan3A_707 : i32 to index
      %get3A_717 = memref.load %arg10[%get3A_716] : memref<2048xf32, #tpu.memory_space<smem>>
      %min3A_718 = vector.broadcast %get3A_713 : f32 to vector<16x128xf32>
      %min3A_719 = arith.minimumf %get3A_7, %min3A_718 : vector<16x128xf32>
      %max3A_720 = vector.broadcast %get3A_709 : f32 to vector<16x128xf32>
      %max3A_721 = arith.maximumf %get3A_1, %max3A_720 : vector<16x128xf32>
      %sub3A_722 = arith.subf %min3A_719, %max3A_721 : vector<16x128xf32>
      %max3A_723 = arith.constant 0.000000e+00 : f32
      %max3A_724 = vector.broadcast %max3A_723 : f32 to vector<16x128xf32>
      %max3A_725 = arith.maximumf %sub3A_722, %max3A_724 : vector<16x128xf32>
      %min3A_726 = vector.broadcast %get3A_715 : f32 to vector<16x128xf32>
      %min3A_727 = arith.minimumf %get3A_10, %min3A_726 : vector<16x128xf32>
      %max3A_728 = vector.broadcast %get3A_711 : f32 to vector<16x128xf32>
      %max3A_729 = arith.maximumf %get3A_4, %max3A_728 : vector<16x128xf32>
      %sub3A_730 = arith.subf %min3A_727, %max3A_729 : vector<16x128xf32>
      %max3A_731 = arith.constant 0.000000e+00 : f32
      %max3A_732 = vector.broadcast %max3A_731 : f32 to vector<16x128xf32>
      %max3A_733 = arith.maximumf %sub3A_730, %max3A_732 : vector<16x128xf32>
      %mul3A_734 = arith.mulf %max3A_725, %max3A_733 : vector<16x128xf32>
      %add3A_735 = vector.broadcast %get3A_717 : f32 to vector<16x128xf32>
      %add3A_736 = arith.addf %get3A_13, %add3A_735 : vector<16x128xf32>
      %sub3A_737 = arith.subf %add3A_736, %mul3A_734 : vector<16x128xf32>
      %max3A_738 = arith.constant 9.99999971E-10 : f32
      %max3A_739 = vector.broadcast %max3A_738 : f32 to vector<16x128xf32>
      %max3A_740 = arith.maximumf %sub3A_737, %max3A_739 : vector<16x128xf32>
      %div3A_741 = arith.divf %mul3A_734, %max3A_740 : vector<16x128xf32>
      %gt3A_742 = arith.constant 0.699999988 : f32
      %gt3A_743 = vector.broadcast %gt3A_742 : f32 to vector<16x128xf32>
      %gt3A_744 = arith.cmpf ogt, %div3A_741, %gt3A_743 : vector<16x128xf32>
      %gt3A_745 = vector.broadcast %scan3A_707 : i32 to vector<16x128xi32>
      %gt3A_746 = arith.cmpi sgt, %add3A, %gt3A_745 : vector<16x128xi32>
      %and3A_747 = arith.andi %gt3A_744, %gt3A_746 : vector<16x128xi1>
      %eq3A_748 = vector.broadcast %scan3A_707 : i32 to vector<16x128xi32>
      %eq3A_749 = arith.cmpi eq, %add3A, %eq3A_748 : vector<16x128xi32>
      %jit3A_750 = arith.constant 0.000000e+00 : f32
      %broadcast_in_dim3A_751 = vector.broadcast %jit3A_750 : f32 to vector<16x128xf32>
      %select_n3A_752 = arith.select %eq3A_749, %max3A_705, %broadcast_in_dim3A_751 : vector<16x128xi1>, vector<16x128xf32>
      %reduce_max3A_753 = vector.shape_cast %select_n3A_752 : vector<16x128xf32> to vector<1x16x128xf32>
      %reduce_max3A_754 = arith.constant dense<0xFF800000> : vector<1xf32>
      %reduce_max3A_755 = vector.multi_reduction <maximumf>, %reduce_max3A_753, %reduce_max3A_754 [1, 2] : vector<1x16x128xf32> to vector<1xf32>
      %reduce_max3A_756 = vector.shape_cast %reduce_max3A_755 : vector<1xf32> to vector<1x1x1xf32>
      %reduce_max3A_757 = vector.extract %reduce_max3A_756[0, 0, 0] : f32 from vector<1x1x1xf32>
      %gt3A_758 = arith.constant 5.000000e-01 : f32
      %gt3A_759 = arith.cmpf ogt, %reduce_max3A_757, %gt3A_758 : f32
      %jit3A_760 = arith.constant 0.000000e+00 : f32
      %jit3A_761 = arith.constant 1.000000e+00 : f32
      %select_n3A_762 = arith.select %gt3A_759, %jit3A_760, %jit3A_761 : f32
      %jit3A_763 = arith.constant 0.000000e+00 : f32
      %broadcast_in_dim3A_764 = vector.broadcast %select_n3A_762 : f32 to vector<16x128xf32>
      %broadcast_in_dim3A_765 = vector.broadcast %jit3A_763 : f32 to vector<16x128xf32>
      %select_n3A_766 = arith.select %and3A_747, %broadcast_in_dim3A_764, %broadcast_in_dim3A_765 : vector<16x128xi1>, vector<16x128xf32>
      %max3A_767 = arith.maximumf %max3A_705, %select_n3A_766 : vector<16x128xf32>
      %scan3A_768 = arith.constant 12 : i32
      %scan3A_769 = arith.addi %scan3A_31, %scan3A_768 : i32
      %get3A_770 = arith.index_cast %scan3A_769 : i32 to index
      %get3A_771 = memref.load %arg6[%get3A_770] : memref<2048xf32, #tpu.memory_space<smem>>
      %get3A_772 = arith.index_cast %scan3A_769 : i32 to index
      %get3A_773 = memref.load %arg7[%get3A_772] : memref<2048xf32, #tpu.memory_space<smem>>
      %get3A_774 = arith.index_cast %scan3A_769 : i32 to index
      %get3A_775 = memref.load %arg8[%get3A_774] : memref<2048xf32, #tpu.memory_space<smem>>
      %get3A_776 = arith.index_cast %scan3A_769 : i32 to index
      %get3A_777 = memref.load %arg9[%get3A_776] : memref<2048xf32, #tpu.memory_space<smem>>
      %get3A_778 = arith.index_cast %scan3A_769 : i32 to index
      %get3A_779 = memref.load %arg10[%get3A_778] : memref<2048xf32, #tpu.memory_space<smem>>
      %min3A_780 = vector.broadcast %get3A_775 : f32 to vector<16x128xf32>
      %min3A_781 = arith.minimumf %get3A_7, %min3A_780 : vector<16x128xf32>
      %max3A_782 = vector.broadcast %get3A_771 : f32 to vector<16x128xf32>
      %max3A_783 = arith.maximumf %get3A_1, %max3A_782 : vector<16x128xf32>
      %sub3A_784 = arith.subf %min3A_781, %max3A_783 : vector<16x128xf32>
      %max3A_785 = arith.constant 0.000000e+00 : f32
      %max3A_786 = vector.broadcast %max3A_785 : f32 to vector<16x128xf32>
      %max3A_787 = arith.maximumf %sub3A_784, %max3A_786 : vector<16x128xf32>
      %min3A_788 = vector.broadcast %get3A_777 : f32 to vector<16x128xf32>
      %min3A_789 = arith.minimumf %get3A_10, %min3A_788 : vector<16x128xf32>
      %max3A_790 = vector.broadcast %get3A_773 : f32 to vector<16x128xf32>
      %max3A_791 = arith.maximumf %get3A_4, %max3A_790 : vector<16x128xf32>
      %sub3A_792 = arith.subf %min3A_789, %max3A_791 : vector<16x128xf32>
      %max3A_793 = arith.constant 0.000000e+00 : f32
      %max3A_794 = vector.broadcast %max3A_793 : f32 to vector<16x128xf32>
      %max3A_795 = arith.maximumf %sub3A_792, %max3A_794 : vector<16x128xf32>
      %mul3A_796 = arith.mulf %max3A_787, %max3A_795 : vector<16x128xf32>
      %add3A_797 = vector.broadcast %get3A_779 : f32 to vector<16x128xf32>
      %add3A_798 = arith.addf %get3A_13, %add3A_797 : vector<16x128xf32>
      %sub3A_799 = arith.subf %add3A_798, %mul3A_796 : vector<16x128xf32>
      %max3A_800 = arith.constant 9.99999971E-10 : f32
      %max3A_801 = vector.broadcast %max3A_800 : f32 to vector<16x128xf32>
      %max3A_802 = arith.maximumf %sub3A_799, %max3A_801 : vector<16x128xf32>
      %div3A_803 = arith.divf %mul3A_796, %max3A_802 : vector<16x128xf32>
      %gt3A_804 = arith.constant 0.699999988 : f32
      %gt3A_805 = vector.broadcast %gt3A_804 : f32 to vector<16x128xf32>
      %gt3A_806 = arith.cmpf ogt, %div3A_803, %gt3A_805 : vector<16x128xf32>
      %gt3A_807 = vector.broadcast %scan3A_769 : i32 to vector<16x128xi32>
      %gt3A_808 = arith.cmpi sgt, %add3A, %gt3A_807 : vector<16x128xi32>
      %and3A_809 = arith.andi %gt3A_806, %gt3A_808 : vector<16x128xi1>
      %eq3A_810 = vector.broadcast %scan3A_769 : i32 to vector<16x128xi32>
      %eq3A_811 = arith.cmpi eq, %add3A, %eq3A_810 : vector<16x128xi32>
      %jit3A_812 = arith.constant 0.000000e+00 : f32
      %broadcast_in_dim3A_813 = vector.broadcast %jit3A_812 : f32 to vector<16x128xf32>
      %select_n3A_814 = arith.select %eq3A_811, %max3A_767, %broadcast_in_dim3A_813 : vector<16x128xi1>, vector<16x128xf32>
      %reduce_max3A_815 = vector.shape_cast %select_n3A_814 : vector<16x128xf32> to vector<1x16x128xf32>
      %reduce_max3A_816 = arith.constant dense<0xFF800000> : vector<1xf32>
      %reduce_max3A_817 = vector.multi_reduction <maximumf>, %reduce_max3A_815, %reduce_max3A_816 [1, 2] : vector<1x16x128xf32> to vector<1xf32>
      %reduce_max3A_818 = vector.shape_cast %reduce_max3A_817 : vector<1xf32> to vector<1x1x1xf32>
      %reduce_max3A_819 = vector.extract %reduce_max3A_818[0, 0, 0] : f32 from vector<1x1x1xf32>
      %gt3A_820 = arith.constant 5.000000e-01 : f32
      %gt3A_821 = arith.cmpf ogt, %reduce_max3A_819, %gt3A_820 : f32
      %jit3A_822 = arith.constant 0.000000e+00 : f32
      %jit3A_823 = arith.constant 1.000000e+00 : f32
      %select_n3A_824 = arith.select %gt3A_821, %jit3A_822, %jit3A_823 : f32
      %jit3A_825 = arith.constant 0.000000e+00 : f32
      %broadcast_in_dim3A_826 = vector.broadcast %select_n3A_824 : f32 to vector<16x128xf32>
      %broadcast_in_dim3A_827 = vector.broadcast %jit3A_825 : f32 to vector<16x128xf32>
      %select_n3A_828 = arith.select %and3A_809, %broadcast_in_dim3A_826, %broadcast_in_dim3A_827 : vector<16x128xi1>, vector<16x128xf32>
      %max3A_829 = arith.maximumf %max3A_767, %select_n3A_828 : vector<16x128xf32>
      %scan3A_830 = arith.constant 13 : i32
      %scan3A_831 = arith.addi %scan3A_31, %scan3A_830 : i32
      %get3A_832 = arith.index_cast %scan3A_831 : i32 to index
      %get3A_833 = memref.load %arg6[%get3A_832] : memref<2048xf32, #tpu.memory_space<smem>>
      %get3A_834 = arith.index_cast %scan3A_831 : i32 to index
      %get3A_835 = memref.load %arg7[%get3A_834] : memref<2048xf32, #tpu.memory_space<smem>>
      %get3A_836 = arith.index_cast %scan3A_831 : i32 to index
      %get3A_837 = memref.load %arg8[%get3A_836] : memref<2048xf32, #tpu.memory_space<smem>>
      %get3A_838 = arith.index_cast %scan3A_831 : i32 to index
      %get3A_839 = memref.load %arg9[%get3A_838] : memref<2048xf32, #tpu.memory_space<smem>>
      %get3A_840 = arith.index_cast %scan3A_831 : i32 to index
      %get3A_841 = memref.load %arg10[%get3A_840] : memref<2048xf32, #tpu.memory_space<smem>>
      %min3A_842 = vector.broadcast %get3A_837 : f32 to vector<16x128xf32>
      %min3A_843 = arith.minimumf %get3A_7, %min3A_842 : vector<16x128xf32>
      %max3A_844 = vector.broadcast %get3A_833 : f32 to vector<16x128xf32>
      %max3A_845 = arith.maximumf %get3A_1, %max3A_844 : vector<16x128xf32>
      %sub3A_846 = arith.subf %min3A_843, %max3A_845 : vector<16x128xf32>
      %max3A_847 = arith.constant 0.000000e+00 : f32
      %max3A_848 = vector.broadcast %max3A_847 : f32 to vector<16x128xf32>
      %max3A_849 = arith.maximumf %sub3A_846, %max3A_848 : vector<16x128xf32>
      %min3A_850 = vector.broadcast %get3A_839 : f32 to vector<16x128xf32>
      %min3A_851 = arith.minimumf %get3A_10, %min3A_850 : vector<16x128xf32>
      %max3A_852 = vector.broadcast %get3A_835 : f32 to vector<16x128xf32>
      %max3A_853 = arith.maximumf %get3A_4, %max3A_852 : vector<16x128xf32>
      %sub3A_854 = arith.subf %min3A_851, %max3A_853 : vector<16x128xf32>
      %max3A_855 = arith.constant 0.000000e+00 : f32
      %max3A_856 = vector.broadcast %max3A_855 : f32 to vector<16x128xf32>
      %max3A_857 = arith.maximumf %sub3A_854, %max3A_856 : vector<16x128xf32>
      %mul3A_858 = arith.mulf %max3A_849, %max3A_857 : vector<16x128xf32>
      %add3A_859 = vector.broadcast %get3A_841 : f32 to vector<16x128xf32>
      %add3A_860 = arith.addf %get3A_13, %add3A_859 : vector<16x128xf32>
      %sub3A_861 = arith.subf %add3A_860, %mul3A_858 : vector<16x128xf32>
      %max3A_862 = arith.constant 9.99999971E-10 : f32
      %max3A_863 = vector.broadcast %max3A_862 : f32 to vector<16x128xf32>
      %max3A_864 = arith.maximumf %sub3A_861, %max3A_863 : vector<16x128xf32>
      %div3A_865 = arith.divf %mul3A_858, %max3A_864 : vector<16x128xf32>
      %gt3A_866 = arith.constant 0.699999988 : f32
      %gt3A_867 = vector.broadcast %gt3A_866 : f32 to vector<16x128xf32>
      %gt3A_868 = arith.cmpf ogt, %div3A_865, %gt3A_867 : vector<16x128xf32>
      %gt3A_869 = vector.broadcast %scan3A_831 : i32 to vector<16x128xi32>
      %gt3A_870 = arith.cmpi sgt, %add3A, %gt3A_869 : vector<16x128xi32>
      %and3A_871 = arith.andi %gt3A_868, %gt3A_870 : vector<16x128xi1>
      %eq3A_872 = vector.broadcast %scan3A_831 : i32 to vector<16x128xi32>
      %eq3A_873 = arith.cmpi eq, %add3A, %eq3A_872 : vector<16x128xi32>
      %jit3A_874 = arith.constant 0.000000e+00 : f32
      %broadcast_in_dim3A_875 = vector.broadcast %jit3A_874 : f32 to vector<16x128xf32>
      %select_n3A_876 = arith.select %eq3A_873, %max3A_829, %broadcast_in_dim3A_875 : vector<16x128xi1>, vector<16x128xf32>
      %reduce_max3A_877 = vector.shape_cast %select_n3A_876 : vector<16x128xf32> to vector<1x16x128xf32>
      %reduce_max3A_878 = arith.constant dense<0xFF800000> : vector<1xf32>
      %reduce_max3A_879 = vector.multi_reduction <maximumf>, %reduce_max3A_877, %reduce_max3A_878 [1, 2] : vector<1x16x128xf32> to vector<1xf32>
      %reduce_max3A_880 = vector.shape_cast %reduce_max3A_879 : vector<1xf32> to vector<1x1x1xf32>
      %reduce_max3A_881 = vector.extract %reduce_max3A_880[0, 0, 0] : f32 from vector<1x1x1xf32>
      %gt3A_882 = arith.constant 5.000000e-01 : f32
      %gt3A_883 = arith.cmpf ogt, %reduce_max3A_881, %gt3A_882 : f32
      %jit3A_884 = arith.constant 0.000000e+00 : f32
      %jit3A_885 = arith.constant 1.000000e+00 : f32
      %select_n3A_886 = arith.select %gt3A_883, %jit3A_884, %jit3A_885 : f32
      %jit3A_887 = arith.constant 0.000000e+00 : f32
      %broadcast_in_dim3A_888 = vector.broadcast %select_n3A_886 : f32 to vector<16x128xf32>
      %broadcast_in_dim3A_889 = vector.broadcast %jit3A_887 : f32 to vector<16x128xf32>
      %select_n3A_890 = arith.select %and3A_871, %broadcast_in_dim3A_888, %broadcast_in_dim3A_889 : vector<16x128xi1>, vector<16x128xf32>
      %max3A_891 = arith.maximumf %max3A_829, %select_n3A_890 : vector<16x128xf32>
      %scan3A_892 = arith.constant 14 : i32
      %scan3A_893 = arith.addi %scan3A_31, %scan3A_892 : i32
      %get3A_894 = arith.index_cast %scan3A_893 : i32 to index
      %get3A_895 = memref.load %arg6[%get3A_894] : memref<2048xf32, #tpu.memory_space<smem>>
      %get3A_896 = arith.index_cast %scan3A_893 : i32 to index
      %get3A_897 = memref.load %arg7[%get3A_896] : memref<2048xf32, #tpu.memory_space<smem>>
      %get3A_898 = arith.index_cast %scan3A_893 : i32 to index
      %get3A_899 = memref.load %arg8[%get3A_898] : memref<2048xf32, #tpu.memory_space<smem>>
      %get3A_900 = arith.index_cast %scan3A_893 : i32 to index
      %get3A_901 = memref.load %arg9[%get3A_900] : memref<2048xf32, #tpu.memory_space<smem>>
      %get3A_902 = arith.index_cast %scan3A_893 : i32 to index
      %get3A_903 = memref.load %arg10[%get3A_902] : memref<2048xf32, #tpu.memory_space<smem>>
      %min3A_904 = vector.broadcast %get3A_899 : f32 to vector<16x128xf32>
      %min3A_905 = arith.minimumf %get3A_7, %min3A_904 : vector<16x128xf32>
      %max3A_906 = vector.broadcast %get3A_895 : f32 to vector<16x128xf32>
      %max3A_907 = arith.maximumf %get3A_1, %max3A_906 : vector<16x128xf32>
      %sub3A_908 = arith.subf %min3A_905, %max3A_907 : vector<16x128xf32>
      %max3A_909 = arith.constant 0.000000e+00 : f32
      %max3A_910 = vector.broadcast %max3A_909 : f32 to vector<16x128xf32>
      %max3A_911 = arith.maximumf %sub3A_908, %max3A_910 : vector<16x128xf32>
      %min3A_912 = vector.broadcast %get3A_901 : f32 to vector<16x128xf32>
      %min3A_913 = arith.minimumf %get3A_10, %min3A_912 : vector<16x128xf32>
      %max3A_914 = vector.broadcast %get3A_897 : f32 to vector<16x128xf32>
      %max3A_915 = arith.maximumf %get3A_4, %max3A_914 : vector<16x128xf32>
      %sub3A_916 = arith.subf %min3A_913, %max3A_915 : vector<16x128xf32>
      %max3A_917 = arith.constant 0.000000e+00 : f32
      %max3A_918 = vector.broadcast %max3A_917 : f32 to vector<16x128xf32>
      %max3A_919 = arith.maximumf %sub3A_916, %max3A_918 : vector<16x128xf32>
      %mul3A_920 = arith.mulf %max3A_911, %max3A_919 : vector<16x128xf32>
      %add3A_921 = vector.broadcast %get3A_903 : f32 to vector<16x128xf32>
      %add3A_922 = arith.addf %get3A_13, %add3A_921 : vector<16x128xf32>
      %sub3A_923 = arith.subf %add3A_922, %mul3A_920 : vector<16x128xf32>
      %max3A_924 = arith.constant 9.99999971E-10 : f32
      %max3A_925 = vector.broadcast %max3A_924 : f32 to vector<16x128xf32>
      %max3A_926 = arith.maximumf %sub3A_923, %max3A_925 : vector<16x128xf32>
      %div3A_927 = arith.divf %mul3A_920, %max3A_926 : vector<16x128xf32>
      %gt3A_928 = arith.constant 0.699999988 : f32
      %gt3A_929 = vector.broadcast %gt3A_928 : f32 to vector<16x128xf32>
      %gt3A_930 = arith.cmpf ogt, %div3A_927, %gt3A_929 : vector<16x128xf32>
      %gt3A_931 = vector.broadcast %scan3A_893 : i32 to vector<16x128xi32>
      %gt3A_932 = arith.cmpi sgt, %add3A, %gt3A_931 : vector<16x128xi32>
      %and3A_933 = arith.andi %gt3A_930, %gt3A_932 : vector<16x128xi1>
      %eq3A_934 = vector.broadcast %scan3A_893 : i32 to vector<16x128xi32>
      %eq3A_935 = arith.cmpi eq, %add3A, %eq3A_934 : vector<16x128xi32>
      %jit3A_936 = arith.constant 0.000000e+00 : f32
      %broadcast_in_dim3A_937 = vector.broadcast %jit3A_936 : f32 to vector<16x128xf32>
      %select_n3A_938 = arith.select %eq3A_935, %max3A_891, %broadcast_in_dim3A_937 : vector<16x128xi1>, vector<16x128xf32>
      %reduce_max3A_939 = vector.shape_cast %select_n3A_938 : vector<16x128xf32> to vector<1x16x128xf32>
      %reduce_max3A_940 = arith.constant dense<0xFF800000> : vector<1xf32>
      %reduce_max3A_941 = vector.multi_reduction <maximumf>, %reduce_max3A_939, %reduce_max3A_940 [1, 2] : vector<1x16x128xf32> to vector<1xf32>
      %reduce_max3A_942 = vector.shape_cast %reduce_max3A_941 : vector<1xf32> to vector<1x1x1xf32>
      %reduce_max3A_943 = vector.extract %reduce_max3A_942[0, 0, 0] : f32 from vector<1x1x1xf32>
      %gt3A_944 = arith.constant 5.000000e-01 : f32
      %gt3A_945 = arith.cmpf ogt, %reduce_max3A_943, %gt3A_944 : f32
      %jit3A_946 = arith.constant 0.000000e+00 : f32
      %jit3A_947 = arith.constant 1.000000e+00 : f32
      %select_n3A_948 = arith.select %gt3A_945, %jit3A_946, %jit3A_947 : f32
      %jit3A_949 = arith.constant 0.000000e+00 : f32
      %broadcast_in_dim3A_950 = vector.broadcast %select_n3A_948 : f32 to vector<16x128xf32>
      %broadcast_in_dim3A_951 = vector.broadcast %jit3A_949 : f32 to vector<16x128xf32>
      %select_n3A_952 = arith.select %and3A_933, %broadcast_in_dim3A_950, %broadcast_in_dim3A_951 : vector<16x128xi1>, vector<16x128xf32>
      %max3A_953 = arith.maximumf %max3A_891, %select_n3A_952 : vector<16x128xf32>
      %scan3A_954 = arith.constant 15 : i32
      %scan3A_955 = arith.addi %scan3A_31, %scan3A_954 : i32
      %get3A_956 = arith.index_cast %scan3A_955 : i32 to index
      %get3A_957 = memref.load %arg6[%get3A_956] : memref<2048xf32, #tpu.memory_space<smem>>
      %get3A_958 = arith.index_cast %scan3A_955 : i32 to index
      %get3A_959 = memref.load %arg7[%get3A_958] : memref<2048xf32, #tpu.memory_space<smem>>
      %get3A_960 = arith.index_cast %scan3A_955 : i32 to index
      %get3A_961 = memref.load %arg8[%get3A_960] : memref<2048xf32, #tpu.memory_space<smem>>
      %get3A_962 = arith.index_cast %scan3A_955 : i32 to index
      %get3A_963 = memref.load %arg9[%get3A_962] : memref<2048xf32, #tpu.memory_space<smem>>
      %get3A_964 = arith.index_cast %scan3A_955 : i32 to index
      %get3A_965 = memref.load %arg10[%get3A_964] : memref<2048xf32, #tpu.memory_space<smem>>
      %min3A_966 = vector.broadcast %get3A_961 : f32 to vector<16x128xf32>
      %min3A_967 = arith.minimumf %get3A_7, %min3A_966 : vector<16x128xf32>
      %max3A_968 = vector.broadcast %get3A_957 : f32 to vector<16x128xf32>
      %max3A_969 = arith.maximumf %get3A_1, %max3A_968 : vector<16x128xf32>
      %sub3A_970 = arith.subf %min3A_967, %max3A_969 : vector<16x128xf32>
      %max3A_971 = arith.constant 0.000000e+00 : f32
      %max3A_972 = vector.broadcast %max3A_971 : f32 to vector<16x128xf32>
      %max3A_973 = arith.maximumf %sub3A_970, %max3A_972 : vector<16x128xf32>
      %min3A_974 = vector.broadcast %get3A_963 : f32 to vector<16x128xf32>
      %min3A_975 = arith.minimumf %get3A_10, %min3A_974 : vector<16x128xf32>
      %max3A_976 = vector.broadcast %get3A_959 : f32 to vector<16x128xf32>
      %max3A_977 = arith.maximumf %get3A_4, %max3A_976 : vector<16x128xf32>
      %sub3A_978 = arith.subf %min3A_975, %max3A_977 : vector<16x128xf32>
      %max3A_979 = arith.constant 0.000000e+00 : f32
      %max3A_980 = vector.broadcast %max3A_979 : f32 to vector<16x128xf32>
      %max3A_981 = arith.maximumf %sub3A_978, %max3A_980 : vector<16x128xf32>
      %mul3A_982 = arith.mulf %max3A_973, %max3A_981 : vector<16x128xf32>
      %add3A_983 = vector.broadcast %get3A_965 : f32 to vector<16x128xf32>
      %add3A_984 = arith.addf %get3A_13, %add3A_983 : vector<16x128xf32>
      %sub3A_985 = arith.subf %add3A_984, %mul3A_982 : vector<16x128xf32>
      %max3A_986 = arith.constant 9.99999971E-10 : f32
      %max3A_987 = vector.broadcast %max3A_986 : f32 to vector<16x128xf32>
      %max3A_988 = arith.maximumf %sub3A_985, %max3A_987 : vector<16x128xf32>
      %div3A_989 = arith.divf %mul3A_982, %max3A_988 : vector<16x128xf32>
      %gt3A_990 = arith.constant 0.699999988 : f32
      %gt3A_991 = vector.broadcast %gt3A_990 : f32 to vector<16x128xf32>
      %gt3A_992 = arith.cmpf ogt, %div3A_989, %gt3A_991 : vector<16x128xf32>
      %gt3A_993 = vector.broadcast %scan3A_955 : i32 to vector<16x128xi32>
      %gt3A_994 = arith.cmpi sgt, %add3A, %gt3A_993 : vector<16x128xi32>
      %and3A_995 = arith.andi %gt3A_992, %gt3A_994 : vector<16x128xi1>
      %eq3A_996 = vector.broadcast %scan3A_955 : i32 to vector<16x128xi32>
      %eq3A_997 = arith.cmpi eq, %add3A, %eq3A_996 : vector<16x128xi32>
      %jit3A_998 = arith.constant 0.000000e+00 : f32
      %broadcast_in_dim3A_999 = vector.broadcast %jit3A_998 : f32 to vector<16x128xf32>
      %select_n3A_1000 = arith.select %eq3A_997, %max3A_953, %broadcast_in_dim3A_999 : vector<16x128xi1>, vector<16x128xf32>
      %reduce_max3A_1001 = vector.shape_cast %select_n3A_1000 : vector<16x128xf32> to vector<1x16x128xf32>
      %reduce_max3A_1002 = arith.constant dense<0xFF800000> : vector<1xf32>
      %reduce_max3A_1003 = vector.multi_reduction <maximumf>, %reduce_max3A_1001, %reduce_max3A_1002 [1, 2] : vector<1x16x128xf32> to vector<1xf32>
      %reduce_max3A_1004 = vector.shape_cast %reduce_max3A_1003 : vector<1xf32> to vector<1x1x1xf32>
      %reduce_max3A_1005 = vector.extract %reduce_max3A_1004[0, 0, 0] : f32 from vector<1x1x1xf32>
      %gt3A_1006 = arith.constant 5.000000e-01 : f32
      %gt3A_1007 = arith.cmpf ogt, %reduce_max3A_1005, %gt3A_1006 : f32
      %jit3A_1008 = arith.constant 0.000000e+00 : f32
      %jit3A_1009 = arith.constant 1.000000e+00 : f32
      %select_n3A_1010 = arith.select %gt3A_1007, %jit3A_1008, %jit3A_1009 : f32
      %jit3A_1011 = arith.constant 0.000000e+00 : f32
      %broadcast_in_dim3A_1012 = vector.broadcast %select_n3A_1010 : f32 to vector<16x128xf32>
      %broadcast_in_dim3A_1013 = vector.broadcast %jit3A_1011 : f32 to vector<16x128xf32>
      %select_n3A_1014 = arith.select %and3A_995, %broadcast_in_dim3A_1012, %broadcast_in_dim3A_1013 : vector<16x128xi1>, vector<16x128xf32>
      %max3A_1015 = arith.maximumf %max3A_953, %select_n3A_1014 : vector<16x128xf32>
      scf.yield %max3A_1015 : vector<16x128xf32>
    }
    %scan3A_22 = arith.constant 2000 : i32
    %gt3A = arith.constant 5.000000e-01 : f32
    %gt3A_23 = vector.broadcast %gt3A : f32 to vector<16x128xf32>
    %gt3A_24 = arith.cmpf ogt, %scan3A_21, %gt3A_23 : vector<16x128xf32>
    %get3A_25 = arith.constant 0 : index
    %get3A_26 = arith.constant 0 : index
    %get3A_27 = vector.load %arg0[%get3A_25, %get3A_26] : memref<16x128xf32, #tpu.memory_space<vmem>>, vector<16x128xf32>
    %jit3A = arith.constant -1.000000e+09 : f32
    %broadcast_in_dim3A_28 = vector.broadcast %jit3A : f32 to vector<16x128xf32>
    %select_n3A = arith.select %gt3A_24, %broadcast_in_dim3A_28, %get3A_27 : vector<16x128xi1>, vector<16x128xf32>
    %swap3A = arith.constant 0 : index
    %swap3A_29 = arith.constant 0 : index
    %swap3A_30 = vector.load %arg11[%swap3A, %swap3A_29] : memref<16x128xf32, #tpu.memory_space<vmem>>, vector<16x128xf32>
    tpu.vector_store %arg11[%swap3A, %swap3A_29], %select_n3A {strides = array<i32>} : memref<16x128xf32, #tpu.memory_space<vmem>>, vector<16x128xf32>,
    return
  }
}

</mosaic_0001>

<sc_bundles>
// kernel: gather_offload_async_start
scs
__scs_entry_jumppad:
0x0: {  	(pc) =	sbr.rel $0x88, $3  }
0x1: {  	(tag) =	ssettag $0x0;
	lr =	simm.s32 $0x1  }
0x2: {  	[smem:$0x3F98] =	sst lr;
	_ =	strace $0xD0000000  }
0x3: {  	_ = 	snop  }
0x4: {  	_ = 	snop  }
0x5: {  	_ = 	snop  }
0x6: {  	_ = 	snop  }
0x7: {  	_ = 	snop  }
__scs_overlays_trampoline_lowered:
0x8: {  	[smem:$0x3FA7] =	sst s0  }
0x9: {  	[smem:$0x3FA8] =	sst s1  }
0xa: {  	[smem:$0x3FA9] =	sst s2  }
0xb: {  	[smem:$0x3FAA] =	sst s3  }
0xc: {  	[smem:$0x3FAB] =	sst s4  }
0xd: {  	[smem:$0x3FAC] =	sst s5  }
0xe: {  	[smem:$0x3FAD] =	sst s6  }
0xf: {  	[smem:$0x3FAE] =	sst s7  }
0x10: {  	[smem:$0x3FAF] =	sst s8  }
0x11: {  	[smem:$0x3FB0] =	sst s9;
	s0 =	simm.s32 @!p0 $0x0  }
0x12: {  	s1 =	sld [smem:$0x3F96];
	s0 =	simm.s32 @p0 $0x1  }
0x13: {  	[smem:$0x3FB1] =	sst s0;
	s0 =	simm.s32 @!p1 $0x0  }
0x14: {  	s2 =	sld [smem:$0x3F95];
	s0 =	simm.s32 @p1 $0x1  }
0x15: {  	[smem:$0x3FB2] =	sst s0;
	s0 =	simm.s32 @!p2 $0x0  }
0x16: {  	s3 =	sld [smem:$0x3FDB];
	s0 =	simm.s32 @p2 $0x1  }
0x17: {  	s4 =	simm.s32 $0x1BF5;
	[smem:$0x3FB4] =	sst s0  }
0x18: {  	s0 =	sld [smem:$0x3F97];
	_ =	swait.ge [sflag:s4], $0x0  }
0x19: {  	s7 =	sld [smem:$0x3F98]  }
0x1a: {  	s8 =	sadd.s32 $0xFFFFE003, lr  }
0x1b: {  	s9 =	sadd.s32 $0xFFFFFEF7, lr;
	s5 =	simm.s32 $0xFFFFFFFF;
	p2 =	slt.u32 s8, $0xFFFFF086  }
0x1c: {  	p1 =	slt.u32 s9, $0xF7A;
	s5 =	simm.s32 @!p2 $0x0  }
0x1d: {  	s5 =	simm.s32 @p1 $0x1;
	p0 =	seq.s32 s7, s2  }
0x1e: {  	s7 =	smul.u32 @!p0 $0xF7A, s2;
	p2 =	seq.s32 @!p0 s5, $0x0  }
0x1f: {  	s9 =	smul.u32 $0xF7A, s1;
	s8 =	simm.s32 @!p0 $0x1BF5;
	p2 =	por !p2, p0  }
0x20: {  	[sflag:s8] =	ssyncset.s32 @!p0 $0xFFFFF086;
	s6 =	sadd.s32 @!p0 s3, s7;
	s7 =	simm.s32 @!p0 $0x108  }
0x21: {  	s3 =	sadd.s32 s3, s9;
	s6 =	sadd.s32 @!p0 $0x88, s6;
	s7 =	simm.s32 @p2 $0x1082  }
0x22: {  	[simem:s7], [sflag:s8] =	dma.local @!p0 [hbm:s6], $0xF7A  }
0x23: {  	s9 =	sor.u32 $0xD0000000, s2;
	s6 =	simm.s32 $0x108;
	_ =	swait.ge @!p0 [sflag:s8], $0x0  }
0x24: {  	s3 =	sadd.s32 $0x88, s3;
	s6 =	simm.s32 @!p1 $0x1082;
	[sflag:s4] =	ssyncset.s32 $0xFFFFF086  }
0x25: {  	[simem:s6], [sflag:s4] =	dma.local [hbm:s3], $0xF7A  }
0x26: {  	[smem:$0x3F98] =	sst s1;
	(tag) =	ssettag s2;
	_ =	strace s9  }
0x27: {  	s1 =	sld [smem:$0x3FA8]  }
0x28: {  	s2 =	sld [smem:$0x3FA9]  }
0x29: {  	s4 =	sld [smem:$0x3FAB]  }
0x2a: {  	p0 =	seq.s32 s5, $0x0;
	s5 =	sld [smem:$0x3FAC]  }
0x2b: {  	s6 =	sld [smem:$0x3FAD]  }
0x2c: {  	s7 =	sld [smem:$0x3FAE]  }
0x2d: {  	s3 =	simm.s32 $0x108;
	s8 =	sld [smem:$0x3FAF]  }
0x2e: {  	s3 =	simm.s32 @!p0 $0x1082;
	s9 =	sld [smem:$0x3FB0]  }
0x2f: {  	lr =	sadd.s32 s0, s3;
	s0 =	sld [smem:$0x3FA7]  }
0x30: {  	s3 =	sld [smem:$0x3FAA]  }
0x31: {  	[smem:$0x3FB3] =	sst s10  }
0x32: {  	s10 =	sld [smem:$0x3FB1];
	_ =	sdelay $0x3  }
0x33: {  	p0 =	seq.s32 s10, $0x1;
	s10 =	sld [smem:$0x3FB3];
	_ =	sdelay $0x3  }
0x34: {  	[smem:$0x3FB3] =	sst s10  }
0x35: {  	s10 =	sld [smem:$0x3FB2];
	_ =	sdelay $0x3  }
0x36: {  	p1 =	seq.s32 s10, $0x1;
	s10 =	sld [smem:$0x3FB3];
	_ =	sdelay $0x3  }
0x37: {  	[smem:$0x3FB3] =	sst s10  }
0x38: {  	s10 =	sld [smem:$0x3FB4]  }
0x39: {  	_ = 	snop;
	(pc) =	sbr.ind lr, $3  }
0x3a: {  	_ = 	snop  }
0x3b: {  	_ = 	snop  }
0x3c: {  	p2 =	seq.s32 s10, $0x1;
	s10 =	sld [smem:$0x3FB3]  }
0x3d: {  	_ =	shalt  }
0x3e: {  	_ =	shalt  }
0x3f: {  	_ =	shalt  }
0x40: {  	_ =	shalt  }
0x41: {  	_ =	shalt  }
0x42: {  	_ =	shalt  }
0x43: {  	_ =	shalt  }
0x44: {  	_ =	shalt  }
0x45: {  	_ =	shalt  }
0x46: {  	_ =	shalt  }
0x47: {  	_ =	shalt  }
0x48: {  	_ =	shalt  }
0x49: {  	_ =	shalt  }
0x4a: {  	_ =	shalt  }
0x4b: {  	_ =	shalt  }
0x4c: {  	_ =	shalt  }
0x4d: {  	_ =	shalt  }
0x4e: {  	_ =	shalt  }
0x4f: {  	_ =	shalt  }
0x50: {  	_ =	shalt  }
0x51: {  	_ =	shalt  }
0x52: {  	_ =	shalt  }
0x53: {  	_ =	shalt  }
0x54: {  	_ =	shalt  }
0x55: {  	_ =	shalt  }
0x56: {  	_ =	shalt  }
0x57: {  	_ =	shalt  }
0x58: {  	_ =	shalt  }
0x59: {  	_ =	shalt  }
0x5a: {  	_ =	shalt  }
0x5b: {  	_ =	shalt  }
0x5c: {  	_ =	shalt  }
0x5d: {  	_ =	shalt  }
0x5e: {  	_ =	shalt  }
0x5f: {  	_ =	shalt  }
0x60: {  	_ =	shalt  }
0x61: {  	_ =	shalt  }
0x62: {  	_ =	shalt  }
0x63: {  	_ =	shalt  }
0x64: {  	_ =	shalt  }
0x65: {  	_ =	shalt  }
0x66: {  	_ =	shalt  }
0x67: {  	_ =	shalt  }
0x68: {  	_ =	shalt  }
0x69: {  	_ =	shalt  }
0x6a: {  	_ =	shalt  }
0x6b: {  	_ =	shalt  }
0x6c: {  	_ =	shalt  }
0x6d: {  	_ =	shalt  }
0x6e: {  	_ =	shalt  }
0x6f: {  	_ =	shalt  }
0x70: {  	_ =	shalt  }
0x71: {  	_ =	shalt  }
0x72: {  	_ =	shalt  }
0x73: {  	_ =	shalt  }
0x74: {  	_ =	shalt  }
0x75: {  	_ =	shalt  }
0x76: {  	_ =	shalt  }
0x77: {  	_ =	shalt  }
0x78: {  	_ =	shalt  }
0x79: {  	_ =	shalt  }
0x7a: {  	_ =	shalt  }
0x7b: {  	_ =	shalt  }
0x7c: {  	_ =	shalt  }
0x7d: {  	_ =	shalt  }
0x7e: {  	_ =	shalt  }
0x7f: {  	_ =	shalt  }
0x80: {  	_ =	shalt  }
0x81: {  	_ =	shalt  }
0x82: {  	_ =	shalt  }
0x83: {  	_ =	shalt  }
0x84: {  	_ =	shalt  }
0x85: {  	_ =	shalt  }
0x86: {  	_ =	shalt  }
0x87: {  	_ =	shalt  }
.Lfunc_end0:
.L_simem_size_0:
called_computation_lowered:
.L_overlay_start_0:
0x88: {  	s0 =	sld [smem:$0x3FD9]  }
0x89: {  	s1 =	sld [smem:$0x3FFE];
	_ =	sdelay $0x3  }
0x8a: {  	s0 =	sadd.s32 s1, s0  }
0x8b: {  	[smem:$0x3FBF] =	sst s0  }
0x8c: {  	_ = 	snop  }
0x8d: {  	s0 =	sld [smem:$0x3FD0];
	_ =	sdelay $0x2  }
0x8e: {  	s13 =	simm.s32 $0xA;
	s2 =	simm.s32 $0x10  }
0x8f: {  	[smem:s2], [sflag:s13] =	dma.local [hbm:s0], $0x1  }
0x90: {  	_ =	swait.eq [sflag:s13], $0x1  }
0x91: {  	[sflag:s13] =	ssyncset.done $0x0  }
0x92: {  	[sflag:s13] =	ssyncadd.s32 $0xFFFFFFFF  }
0x93: {  	s14 =	sld [smem:$0x10];
	(tm) =	ssettm $0x1  }
0x94: {  	s15 =	sld [smem:$0x3FFB];
	_ =	sdelay $0x3  }
0x95: {  	_ =	strace s15  }
0x96: {  	s1 =	sld [smem:$0x3FFC];
	_ =	sdelay $0x3  }
0x97: {  	_ =	strace s1  }
0x98: {  	s1 =	sld [smem:$0x3FFD];
	_ =	sdelay $0x3  }
0x99: {  	_ =	strace s1  }
0x9a: {  	_ =	strace $0x8FFFFFFF  }
0x9b: {  	s16 =	sld [smem:$0x3FDB];
	_ =	sdelay $0x1  }
0x9c: {  	s17 =	simm.s32 $_scs_section_size  }
0x9d: {  	s3 =	simm.s32 $_size__tile_overlayer_lowered;
	s4 =	simm.s32 $_tile_overlayer_lowered  }
0x9e: {  	s20 =	simm.s32 $0x1BFF;
	s19 =	sshll.u32 s4, $0x1;
	s1 =	sadd.s32 s17, s16  }
0x9f: {  	s5 =	simm.s32 $0x0;
	s18 =	sshll.u32 s3, $0x1;
	s3 =	sadd.s32 s19, s1  }
0xa0: {  	[timem:s5], [sflag:s20] =	dma.local [hbm:s3], s18  }
0xa1: {  	_ =	swait.ge [sflag:s20], s18  }
0xa2: {  	s2 =	ssub.s32 $0x0, s18;
	[sflag:s20] =	ssyncset.done $0x0  }
0xa3: {  	[sflag:s20] =	ssyncadd.s32 s2;
	_ =	sdelay $0x1  }
0xa4: {  	s21 =	simm.s32 $0x1B8B  }
0xa5: {  	_ =	swait.ge [sflag:s21], $0x1  }
0xa6: {  	[sflag:s21] =	ssyncset.done $0x0  }
0xa7: {  	s23 =	simm.s32 $0x1B8E;
	s22 =	sld [smem:$0x3FFE];
	[sflag:s21] =	ssyncadd.s32 $0xFFFFFFFF  }
0xa8: {  	s24 =	simm.s32 $execute0_lowered;
	[smem:$0x3FD2] =	sst s23  }
0xa9: {  	s3 =	sshll.u32 s24, $0x1;
	_ =	strace $0x80000046;
	[dreg:$0x1] =	wrdreg $0xFFFFFFFF  }
0xaa: {  	s25 =	simm.s32 $_size_execute0_lowered;
	s1 =	sadd.s32 s1, s3;
	[dreg:$0x0] =	wrdreg $0x0  }
0xab: {  	s3 =	sshll.u32 s25, $0x1;
	[dreg:$0x2] =	wrdreg s1  }
0xac: {  	[dreg:$0x3] =	wrdreg s3  }
0xad: {  	[dreg:$0x4] =	wrdreg $0xC0  }
0xae: {  	_ =	task [dreg:s5], $0x5FFFF  }
0xaf: {  	[dreg:$0x1] =	wrdreg $0xFFFFFFFF  }
0xb0: {  	[dreg:$0x0] =	wrdreg $0x60  }
0xb1: {  	[dreg:$0x2] =	wrdreg s22  }
0xb2: {  	[dreg:$0x3] =	wrdreg s14  }
0xb3: {  	[dreg:$0x4] =	wrdreg $0x9  }
0xb4: {  	_ =	task.clear_ibuf [dreg:s5], $0x5FFFF;
	_ =	strace $0x90000046  }
0xb5: {  	s26 =	simm.s32 $0x9;
	_ =	strace $0x80000048  }
0xb6: {  	_ =	swait.ge [sflag:s26], $0x1  }
0xb7: {  	[sflag:s26] =	ssyncadd.s32 $0xFFFFFFFF  }
0xb8: {  	_ =	strace $0x90000048  }
0xb9: {  	_ =	sfence  }
0xba: {  	s28 =	sld [smem:$0x0];
	_ =	sdelay $0x1  }
0xbb: {  	s29 =	srdreg.scid  }
0xbc: {  	s30 =	sshll.u32 s29, $0xD;
	s31 =	sshrl.u32 s29, $0x2  }
0xbd: {  	s2 =	sand.u32 $0x4000, s30;
	s1 =	sand.u32 $0x1, s29;
	s0 =	sadd.s32 s31, s28  }
0xbe: {  	s1 =	sor.u32 s2, s1;
	s0 =	sshll.u32 s0, $0x11  }
0xbf: {  	s0 =	sor.u32 s0, s1  }
0xc0: {  	s0 =	sadd.s32 $0x8F2B, s0  }
0xc1: {  	[sflag:s0] =	ssyncadd.remote.s32 $0x1  }
0xc2: {  	_ =	sfence.sel $0xFFFF  }
0xc3: {  	[dreg:$0x0] =	wrdreg $0xFFFFFFFF;
	(pc) =	sbr.abs _section_cstart, $3  }
0xc4: {  	[dreg:$0x1] =	wrdreg $0xFFFFFFFF  }
0xc5: {  	_ =	task.clear_ibuf [dreg:s5], $0x2FFFF;
	_ =	strace $0x9FFFFFFF  }
0xc6: {  	(tm) =	ssettm $0x7FFFFFFF  }
0xc7: {  	_ =	shalt  }
tec
execute0_lowered:
.L_overlay_start_1:
0x0: {  	(tag) =	ssettag $0x1  }
0x1: {  	s0 =	stileid.u32  }
0x2: {  	s1 =	smin.u32 s0, $0x9  }
0x3: {  	s1 =	sadd.s32 s0, s1  }
0x4: {  	s2 =	simm.s32 $0xA0;
	p0 =	slt.u32 s0, $0x9;
	s1 =	smul.u32 $0x50, s1  }
0x5: {  	s2 =	simm.s32 @!p0 $0x50  }
0x6: {  	s2 =	sadd.s32 s2, s1  }
0x7: {  	s3 =	smin.u32 s2, $0x7D0  }
0x8: {  	s7 =	ssub.s32 s3, s1  }
0x9: {  	p0 =	sgt.s32 s7, $0x0  }
0xa: {  	s7 =	simm.s32 @!p0 $0x0  }
0xb: {  	s9 =	rddreg [dreg:$0x0];
	s31 =	smul.u32 $0xCCCD, s7  }
0xc: {  	s4 =	rddreg [dreg:$0x1];
	s6 =	simm.s32 $0x1  }
0xd: {  	s11 =	simm.s32 $0x3;
	s13 =	simm.s32 $0x0;
	s8 =	sshrl.u32 s31, $0x16  }
0xe: {  	s12 =	simm.s32 $0x0;
	s5 =	sadd.s32 $0x200, s9;
	s10 =	smul.u32 $0x50, s8  }
.Ltmp0:
0xf: {  	s9 =	sadd.s32 $0x1F4200, s9;
	s2 =	rddreg [dreg:$0x2];
	(pc) =	sbr.rel .LBB2_1-.Ltmp0, $4  }
0x10: {  	_ =	strace $0x80000047;
	p0 =	sne.s32 s7, s10;
	s10 =	simm.s32 $0x1  }
0x11: {  	[sflag:s6] =	ssyncpa.u1 $0x0;
	s7 =	simm.s32 $0x2;
	s10 =	simm.s32 @!p0 $0x0  }
0x12: {  	[sflag:s7] =	ssyncpa.u1 $0x0;
	p0 =	por $0x0, $0x0;
	s8 =	sadd.s32 s8, s10  }
0x13: {  	vm0 =	vmmov $0xff;
	vm1 =	vcmask $0x3F20;
	[sflag:s11] =	ssyncpa.u1 $0x0;
	s11 =	smov.u32 s1;
	s10 =	sadd.s32 $0x1, s8  }
.LBB2_6:
0x14: {  	[hbm:s17] =	stream.linear.scatter [tilespmem:s14], [sflag:$0x3], $0x400, $0x38;
	[tilespmem:$0x50A0] =	vst v63  }
.LBB2_7:
0x15: {  	s13 =	sadd.s32 $0x50, s11  }
0x16: {  	s15 =	smov.u32 s1;
	p2 =	slt.s32 s13, s3  }
0x17: {  	s15 =	smov.u32 @p2 s13;
	p2 =	sne.s32 s12, s10  }
.Ltmp1:
0x18: {  	p1 =	slt.u32 s12, $0x2;
	(pc) =	sbr.rel @!p2 .LBB2_8-.Ltmp1, $4  }
0x19: {  	s14 =	simm.s32 @!p1 $0x3  }
0x1a: {  	s16 =	sadd.s32 $0x1, s12;
	_ =	swait.ge @!p1 [sflag:s14], $0x2800  }
0x1b: {  	p0 =	por !p0, !p0;
	s13 =	smov.u32 s11;
	[sflag:s14] =	ssyncset.done @!p1 $0x0  }
0x1c: {  	s12 =	smov.u32 s16;
	s11 =	smov.u32 s15;
	[sflag:s14] =	ssyncadd.s32 @!p1 $0xFFFFD800  }
.LBB2_1:
0x1d: {  	p1 =	sge.u32 s12, s8  }
0x1e: {  	s14 =	sxor.u32 @!p1 $0xFFFFFFFF, s12  }
0x1f: {  	s14 =	sand.u32 @!p1 $0x1, s14  }
0x20: {  	s14 =	smul.u32 @!p1 $0x140, s14  }
0x21: {  	s31 =	sadd.s32 $0xFFFFFFFF, s12;
	s15 =	sshrl.u32 @!p1 s11, $0x3  }
0x22: {  	s16 =	sand.u32 @!p1 $0x7, s11;
	s15 =	sadd.s32 @!p1 s4, s15;
	s14 =	sshrl.u32 @!p1 s14, $0x2  }
0x23: {  	[tilespmem:s14], [sflag:$0x2] =	stream.linear.gather @!p1 [hbm4b:s15+s16], $0x50, $0x38;
	[tilespmem:$0x50A0] =	vst v63  }
0x24: {  	p1 =	sge.u32 s31, s8  }
.Ltmp2:
0x25: {  	_ = 	snop;
	(pc) =	sbr.rel @p1 .LBB2_7-.Ltmp2, $1  }
0x26: {  	_ =	sdelay $0x3  }
0x27: {  	s14 =	simm.s32 $0x1  }
0x28: {  	s14 =	simm.s32 @!p0 $0x0  }
0x29: {  	s15 =	smul.u32 $0x140, s14  }
0x2a: {  	_ =	swait.ge [sflag:s7], $0x50  }
0x2b: {  	[sflag:s7] =	ssyncset.done $0x0;
	s16 =	sshrl.u32 s15, $0x2  }
0x2c: {  	[sflag:s7] =	ssyncadd.s32 $0xFFFFFFB0;
	s15 =	sadd.s32 $0x0, s16  }
0x2d: {  	v0 =	vld.msk [tilespmem:s15+$0x0 ss:$0x1], $0xffff;
	_ =	sdelay $0x4  }
0x2e: {  	vm2 =	vgt.s32 v0, $0x0  }
0x2f: {  	v0 =	vnsel vm2, $0x0, v0  }
0x30: {  	v0 =	vmin.u32 v0, $0x1F3FF  }
0x31: {  	v0 =	vshll.u32 v0, $0x4  }
0x32: {  	s14 =	smul.u32 $0xA000, s14;
	_ =	sdelay $0x1  }
0x33: {  	s14 =	sshrl.u32 s14, $0x2  }
0x34: {  	s14 =	sor.u32 $0xA0, s14  }
0x35: {  	[tilespmem:s14], [sflag:$0x1] =	stream.indirect_vreg.gather [hbm:s5], $0x80, v0, vm0, $0x38;
	[tilespmem:$0x50A0] =	vst v63  }
0x36: {  	s17 =	sadd.s32 $0x10, s16;
	s15 =	sadd.s32 $0x400, s14  }
0x37: {  	[tilespmem:s15], [sflag:$0x1] =	stream.indirect_vreg.gather [hbm:s5], $0x80, v0, vm1, $0x38;
	[tilespmem:$0x50A0] =	vst v63  }
0x38: {  	s18 =	simm.s32 $0x80;
	v0 =	vld.msk [tilespmem:s17+$0x0 ss:$0x1], $0xffff;
	s17 =	smov.u32 s14  }
.LBB2_3:
0x39: {  	p1 =	sne.s32 s18, $0x100;
	_ =	sdelay $0x4  }
0x3a: {  	vm2 =	vgt.s32 v0, $0x0  }
0x3b: {  	v0 =	vnsel vm2, $0x0, v0  }
0x3c: {  	v0 =	vmin.u32 v0, $0x1F3FF  }
0x3d: {  	v0 =	vshll.u32 v0, $0x4;
	_ =	sdelay $0x3  }
.Ltmp3:
0x3e: {  	s19 =	sshra.s32 s18, $0x2;
	s17 =	sadd.s32 $0x800, s17;
	(pc) =	sbr.rel @p1 .LBB2_3-.Ltmp3, $4  }
0x3f: {  	[tilespmem:s17], [sflag:$0x1] =	stream.indirect_vreg.gather [hbm:s5], $0x80, v0, vm0, $0x38;
	[tilespmem:$0x50A0] =	vst v63  }
0x40: {  	s19 =	sadd.s32 s19, s16;
	s20 =	sadd.s32 $0x400, s17  }
0x41: {  	[tilespmem:s20], [sflag:$0x1] =	stream.indirect_vreg.gather [hbm:s5], $0x80, v0, vm1, $0x38;
	[tilespmem:$0x50A0] =	vst v63  }
0x42: {  	s18 =	sadd.s32 $0x40, s18;
	v0 =	vld.msk [tilespmem:s19+$0x0 ss:$0x1], $0xffff  }
0x43: {  	_ =	sdelay $0x3  }
0x44: {  	vm2 =	vgt.s32 v0, $0x0  }
0x45: {  	v0 =	vnsel vm2, $0x0, v0  }
0x46: {  	v0 =	vmin.u32 v0, $0x1F3FF  }
0x47: {  	v0 =	vshll.u32 v0, $0x4;
	_ =	sdelay $0x3  }
0x48: {  	s16 =	sadd.s32 $0x800, s17  }
0x49: {  	[tilespmem:s16], [sflag:$0x1] =	stream.indirect_vreg.gather [hbm:s5], $0x80, v0, vm0, $0x38;
	[tilespmem:$0x50A0] =	vst v63  }
0x4a: {  	s16 =	sadd.s32 $0x400, s16  }
0x4b: {  	[tilespmem:s16], [sflag:$0x1] =	stream.indirect_vreg.gather [hbm:s5], $0x80, v0, vm1, $0x38;
	[tilespmem:$0x50A0] =	vst v63  }
0x4c: {  	s13 =	sshll.u32 s13, $0x4;
	_ =	swait.ge [sflag:s6], $0x2800  }
0x4d: {  	s13 =	sadd.s32 s13, s9;
	[sflag:s6] =	ssyncset.done $0x0  }
0x4e: {  	s17 =	sadd.s32 $0x0, s13;
	s16 =	simm.s32 $0x80;
	[sflag:s6] =	ssyncadd.s32 $0xFFFFD800  }
.LBB2_5:
0x4f: {  	[hbm:s17] =	stream.linear.scatter [tilespmem:s14], [sflag:$0x3], $0x400, $0x38;
	[tilespmem:$0x50A0] =	vst v63  }
0x50: {  	s17 =	smov.u32 s16;
	s14 =	smov.u32 s15;
	p1 =	sne.s32 s16, $0x480  }
.Ltmp4:
0x51: {  	s16 =	sadd.s32 $0x80, s16;
	(pc) =	sbr.rel @p1 .LBB2_5-.Ltmp4, $2  }
0x52: {  	_ =	sdelay $0x2  }
0x53: {  	s15 =	sadd.s32 $0x400, s15;
	s17 =	sadd.s32 s17, s13  }
.Ltmp5:
0x54: {  	_ = 	snop;
	(pc) =	sbr.rel .LBB2_6-.Ltmp5, $1  }
0x55: {  	_ =	sdelay $0x3  }
.LBB2_8:
0x56: {  	_ =	sfence.sel $0x180000  }
0x57: {  	s1 =	simm.s32 $0x2;
	[bflag:$0x0] =	sbarrier.arrive $0xFFFF  }
0x58: {  	s30 =	simm.s32 $0x3;
	[sflag:s1] =	ssyncpa.u1 $0x1  }
0x59: {  	s31 =	simm.s32 $0x1;
	[sflag:s30] =	ssyncpa.u1 $0x1  }
0x5a: {  	[sflag:s31] =	ssyncpa.u1 $0x1  }
0x5b: {  	p0 =	sne.s32 s0, $0x0;
	_ =	strace $0x90000047  }
0x5c: {  	s0 =	sadd.s32 @!p0 $0x100000, s2;
	[bflag:$0x2] =	sbarrier.arrive $0xFFFF  }
0x5d: {  	[sflag:s0] =	ssyncadd.tile.s32 @!p0 $0x1;
	_ =	shalt  }
.Lfunc_end2:
_tile_overlayer_lowered:
.L_overlay_start_2:
0x5e: {  	(tag) =	ssettag $0x2  }
0x5f: {  	s0 =	rddreg [dreg:$0x0];
	s2 =	stileid.u32  }
0x60: {  	s1 =	rddreg [dreg:$0x1];
	p0 =	sne.s32 s2, $0x0  }
0x61: {  	s3 =	rddreg [dreg:$0x2];
	[bflag:$0x3] =	sbarrier.arrive $0xFFFF;
	s2 =	simm.s32 @!p0 $0x1C01  }
0x62: {  	[timem:s3], [sflag:s2] =	dma.local @!p0 [hbm:s0], s1  }
0x63: {  	s0 =	simm.s32 @!p0 $0x1  }
0x64: {  	_ =	swait.ge @!p0 [sflag:s0], s1  }
0x65: {  	s1 =	ssub.s32 @!p0 $0x0, s1;
	[sflag:s0] =	ssyncset.done @!p0 $0x0  }
0x66: {  	[sflag:s0] =	ssyncadd.s32 @!p0 s1  }
0x67: {  	[bflag:$0x3] =	sbarrier.arrive $0xFFFF  }
0x68: {  	_ =	shalt  }

</sc_bundles>
